<compile_context>
chip_gen: v7x
topology: tpu7x:2x2x1
jax: 0.10.2.dev20260603
libtpu: 0.0.44.dev20260713+nightly
codegen_flags: <defaults>
</compile_context>

<pallas_src>
import functools

import jax
import jax.numpy as jnp
from jax import lax
from jax.experimental import pallas as pl
from jax.experimental.pallas import tpu as pltpu
from jax.experimental.pallas import tpu_sc as plsc

_SHAPE = (10, 6, 5)
_N = 300
_L = 16
_NVREG = -(-_N // _L)
_NPAD = _NVREG * _L
_MESH = plsc.VectorSubcoreMesh(
    core_axis_name="c", subcore_axis_name="s", num_cores=1, num_subcores=1
)


def _addend(off):
    l = lax.rem(off, 5)
    of = off.astype(jnp.float32)
    return jnp.where(l == 0, 2.0 * of + 1.0, jnp.where(l == 1, 0.0, of))


@functools.partial(
    pl.kernel,
    out_type=jax.ShapeDtypeStruct((_N,), jnp.float32),
    mesh=_MESH,
    scratch_types=[
        pltpu.VMEM((_NPAD,), jnp.float32),
        pltpu.VMEM((_NPAD,), jnp.float32),
        pltpu.SemaphoreType.DMA,
    ],
)
def _index_add_sc(x_hbm, out_hbm, xv, ov, sem):
    wid = lax.axis_index("s") * _MESH.num_cores + lax.axis_index("c")

    @pl.when(wid == 0)
    def _():
        cp = pltpu.async_copy(x_hbm, xv.at[pl.ds(0, _N)], sem)
        iota = lax.iota(jnp.int32, _L)
        addends = [_addend(iota + i * _L) for i in range(_NVREG)]
        cp.wait()
        for i in range(_NVREG):
            ov[pl.ds(i * _L, _L)] = xv[pl.ds(i * _L, _L)] + addends[i]
        pltpu.sync_copy(ov.at[pl.ds(0, _N)], out_hbm)


def kernel(x):
    return _index_add_sc(x.reshape(_N)).reshape(_SHAPE)

# --- scband reference (transcript-rebuilt; emitter-appended) ---
"""Pipeline reference for scband-add-model-66013647339533 (READ-ONLY COPY).

The authoritative reference and input builder live on the scoring server;
editing this copy changes nothing except your own understanding.
"""

import jax, jax.numpy as jnp
import numpy as np

ADD_ALPHA = 1.0

def setup_inputs(seed: int = 0) -> dict:
    key = jax.random.key(seed)
    x = jax.random.normal(key, (10, 6, 5), dtype=jnp.float32)
    return {"x": x}

def reference(x):
    # torch: x.index_add_(-1, index, t, alpha=add_alpha)
    index = jnp.array([0, 0, 2, 3, 4], dtype=jnp.int32)
    t = jnp.arange(0, 300, 1, dtype=jnp.float32).reshape(10, 6, 5)
    # scatter-add along last axis; duplicate indices (two 0s) accumulate,
    # matching torch.index_add_ semantics
    out = x.at[:, :, index].add(ADD_ALPHA * t)
    return out

if __name__ == "__main__":
    import jax
    _d = setup_inputs()
    print(jax.jit(kernel)(*tuple(_d.values())))

</pallas_src>

<mosaic_0001>
#map = affine_map<(d0, d1) -> (0)>
module attributes {stable_mosaic.version = 14 : i64} {
  func.func @_index_add_sc(%arg0: i32, %arg1: i32, %arg2: memref<300xf32, #tpu.memory_space<hbm>>, %arg3: memref<300xf32, #tpu.memory_space<hbm>>, %arg4: memref<304xf32, #tpu.memory_space<vmem>>, %arg5: memref<304xf32, #tpu.memory_space<vmem>>, %arg6: memref<!tpu.dma_semaphore, #tpu.memory_space<semaphore_mem>>) attributes {dimension_semantics = [#tpu.dimension_semantics<core_parallel>, #tpu.dimension_semantics<subcore_parallel>], iteration_bounds = array<i64: 1, 1>, scalar_prefetch = 0 : i64, scratch_operands = 3 : i64, tpu.core_type = #tpu.core_type<sc_vector_subcore>, window_params = [{transform_indices = #map}, {transform_indices = #map}]} {
    %mul3A = arith.constant 1 : i32
    %mul3A_0 = arith.muli %arg1, %mul3A : i32
    %add3A = arith.addi %mul3A_0, %arg0 : i32
    %eq3A = arith.constant 0 : i32
    %eq3A_1 = arith.cmpi eq, %add3A, %eq3A : i32
    %convert_element_type3A = arith.extui %eq3A_1 : i1 to i32
    %cond3A = arith.constant 0 : i32
    %cond3A_2 = arith.cmpi ne, %convert_element_type3A, %cond3A : i32
    scf.if %cond3A_2 {
      %dma_start3A = arith.constant 0 : i32
      %dma_start3A_3 = tpu.memref_slice %arg4[%dma_start3A] : memref<304xf32, #tpu.memory_space<vmem>> -> memref<300xf32, #tpu.memory_space<vmem>>
      %dma_start3A_4 = arith.constant 0 : i32
      %dma_start3A_5 = tpu.memref_slice %arg4[%dma_start3A_4] : memref<304xf32, #tpu.memory_space<vmem>> -> memref<300xf32, #tpu.memory_space<vmem>>
      tpu.enqueue_dma source(%arg2 : memref<300xf32, #tpu.memory_space<hbm>>) target(%dma_start3A_5 : memref<300xf32, #tpu.memory_space<vmem>>) target_semaphore(%arg6 : memref<!tpu.dma_semaphore, #tpu.memory_space<semaphore_mem>>)
      %iota3A = tpu.iota {dimensions = array<i32: 0>} : vector<16xi32>
      %add3A_6 = arith.constant 0 : i32
      %add3A_7 = vector.broadcast %add3A_6 : i32 to vector<16xi32>
      %add3A_8 = arith.addi %iota3A, %add3A_7 : vector<16xi32>
      %rem3A = arith.constant 5 : i32
      %rem3A_9 = vector.broadcast %rem3A : i32 to vector<16xi32>
      %rem3A_10 = arith.remsi %add3A_8, %rem3A_9 : vector<16xi32>
      %convert_element_type3A_11 = arith.sitofp %add3A_8 : vector<16xi32> to vector<16xf32>
      %eq3A_12 = arith.constant 0 : i32
      %eq3A_13 = vector.broadcast %eq3A_12 : i32 to vector<16xi32>
      %eq3A_14 = arith.cmpi eq, %rem3A_10, %eq3A_13 : vector<16xi32>
      %mul3A_15 = arith.constant 2.000000e+00 : f32
      %mul3A_16 = vector.broadcast %mul3A_15 : f32 to vector<16xf32>
      %mul3A_17 = arith.mulf %mul3A_16, %convert_element_type3A_11 : vector<16xf32>
      %add3A_18 = arith.constant 1.000000e+00 : f32
      %add3A_19 = vector.broadcast %add3A_18 : f32 to vector<16xf32>
      %add3A_20 = arith.addf %mul3A_17, %add3A_19 : vector<16xf32>
      %eq3A_21 = arith.constant 1 : i32
      %eq3A_22 = vector.broadcast %eq3A_21 : i32 to vector<16xi32>
      %eq3A_23 = arith.cmpi eq, %rem3A_10, %eq3A_22 : vector<16xi32>
      %jit3A = arith.constant 0.000000e+00 : f32
      %broadcast_in_dim3A = vector.broadcast %jit3A : f32 to vector<16xf32>
      %select_n3A = arith.select %eq3A_23, %broadcast_in_dim3A, %convert_element_type3A_11 : vector<16xi1>, vector<16xf32>
      %select_n3A_24 = arith.select %eq3A_14, %add3A_20, %select_n3A : vector<16xi1>, vector<16xf32>
      %add3A_25 = arith.constant 16 : i32
      %add3A_26 = vector.broadcast %add3A_25 : i32 to vector<16xi32>
      %add3A_27 = arith.addi %iota3A, %add3A_26 : vector<16xi32>
      %rem3A_28 = arith.constant 5 : i32
      %rem3A_29 = vector.broadcast %rem3A_28 : i32 to vector<16xi32>
      %rem3A_30 = arith.remsi %add3A_27, %rem3A_29 : vector<16xi32>
      %convert_element_type3A_31 = arith.sitofp %add3A_27 : vector<16xi32> to vector<16xf32>
      %eq3A_32 = arith.constant 0 : i32
      %eq3A_33 = vector.broadcast %eq3A_32 : i32 to vector<16xi32>
      %eq3A_34 = arith.cmpi eq, %rem3A_30, %eq3A_33 : vector<16xi32>
      %mul3A_35 = arith.constant 2.000000e+00 : f32
      %mul3A_36 = vector.broadcast %mul3A_35 : f32 to vector<16xf32>
      %mul3A_37 = arith.mulf %mul3A_36, %convert_element_type3A_31 : vector<16xf32>
      %add3A_38 = arith.constant 1.000000e+00 : f32
      %add3A_39 = vector.broadcast %add3A_38 : f32 to vector<16xf32>
      %add3A_40 = arith.addf %mul3A_37, %add3A_39 : vector<16xf32>
      %eq3A_41 = arith.constant 1 : i32
      %eq3A_42 = vector.broadcast %eq3A_41 : i32 to vector<16xi32>
      %eq3A_43 = arith.cmpi eq, %rem3A_30, %eq3A_42 : vector<16xi32>
      %jit3A_44 = arith.constant 0.000000e+00 : f32
      %broadcast_in_dim3A_45 = vector.broadcast %jit3A_44 : f32 to vector<16xf32>
      %select_n3A_46 = arith.select %eq3A_43, %broadcast_in_dim3A_45, %convert_element_type3A_31 : vector<16xi1>, vector<16xf32>
      %select_n3A_47 = arith.select %eq3A_34, %add3A_40, %select_n3A_46 : vector<16xi1>, vector<16xf32>
      %add3A_48 = arith.constant 32 : i32
      %add3A_49 = vector.broadcast %add3A_48 : i32 to vector<16xi32>
      %add3A_50 = arith.addi %iota3A, %add3A_49 : vector<16xi32>
      %rem3A_51 = arith.constant 5 : i32
      %rem3A_52 = vector.broadcast %rem3A_51 : i32 to vector<16xi32>
      %rem3A_53 = arith.remsi %add3A_50, %rem3A_52 : vector<16xi32>
      %convert_element_type3A_54 = arith.sitofp %add3A_50 : vector<16xi32> to vector<16xf32>
      %eq3A_55 = arith.constant 0 : i32
      %eq3A_56 = vector.broadcast %eq3A_55 : i32 to vector<16xi32>
      %eq3A_57 = arith.cmpi eq, %rem3A_53, %eq3A_56 : vector<16xi32>
      %mul3A_58 = arith.constant 2.000000e+00 : f32
      %mul3A_59 = vector.broadcast %mul3A_58 : f32 to vector<16xf32>
      %mul3A_60 = arith.mulf %mul3A_59, %convert_element_type3A_54 : vector<16xf32>
      %add3A_61 = arith.constant 1.000000e+00 : f32
      %add3A_62 = vector.broadcast %add3A_61 : f32 to vector<16xf32>
      %add3A_63 = arith.addf %mul3A_60, %add3A_62 : vector<16xf32>
      %eq3A_64 = arith.constant 1 : i32
      %eq3A_65 = vector.broadcast %eq3A_64 : i32 to vector<16xi32>
      %eq3A_66 = arith.cmpi eq, %rem3A_53, %eq3A_65 : vector<16xi32>
      %jit3A_67 = arith.constant 0.000000e+00 : f32
      %broadcast_in_dim3A_68 = vector.broadcast %jit3A_67 : f32 to vector<16xf32>
      %select_n3A_69 = arith.select %eq3A_66, %broadcast_in_dim3A_68, %convert_element_type3A_54 : vector<16xi1>, vector<16xf32>
      %select_n3A_70 = arith.select %eq3A_57, %add3A_63, %select_n3A_69 : vector<16xi1>, vector<16xf32>
      %add3A_71 = arith.constant 48 : i32
      %add3A_72 = vector.broadcast %add3A_71 : i32 to vector<16xi32>
      %add3A_73 = arith.addi %iota3A, %add3A_72 : vector<16xi32>
      %rem3A_74 = arith.constant 5 : i32
      %rem3A_75 = vector.broadcast %rem3A_74 : i32 to vector<16xi32>
      %rem3A_76 = arith.remsi %add3A_73, %rem3A_75 : vector<16xi32>
      %convert_element_type3A_77 = arith.sitofp %add3A_73 : vector<16xi32> to vector<16xf32>
      %eq3A_78 = arith.constant 0 : i32
      %eq3A_79 = vector.broadcast %eq3A_78 : i32 to vector<16xi32>
      %eq3A_80 = arith.cmpi eq, %rem3A_76, %eq3A_79 : vector<16xi32>
      %mul3A_81 = arith.constant 2.000000e+00 : f32
      %mul3A_82 = vector.broadcast %mul3A_81 : f32 to vector<16xf32>
      %mul3A_83 = arith.mulf %mul3A_82, %convert_element_type3A_77 : vector<16xf32>
      %add3A_84 = arith.constant 1.000000e+00 : f32
      %add3A_85 = vector.broadcast %add3A_84 : f32 to vector<16xf32>
      %add3A_86 = arith.addf %mul3A_83, %add3A_85 : vector<16xf32>
      %eq3A_87 = arith.constant 1 : i32
      %eq3A_88 = vector.broadcast %eq3A_87 : i32 to vector<16xi32>
      %eq3A_89 = arith.cmpi eq, %rem3A_76, %eq3A_88 : vector<16xi32>
      %jit3A_90 = arith.constant 0.000000e+00 : f32
      %broadcast_in_dim3A_91 = vector.broadcast %jit3A_90 : f32 to vector<16xf32>
      %select_n3A_92 = arith.select %eq3A_89, %broadcast_in_dim3A_91, %convert_element_type3A_77 : vector<16xi1>, vector<16xf32>
      %select_n3A_93 = arith.select %eq3A_80, %add3A_86, %select_n3A_92 : vector<16xi1>, vector<16xf32>
      %add3A_94 = arith.constant 64 : i32
      %add3A_95 = vector.broadcast %add3A_94 : i32 to vector<16xi32>
      %add3A_96 = arith.addi %iota3A, %add3A_95 : vector<16xi32>
      %rem3A_97 = arith.constant 5 : i32
      %rem3A_98 = vector.broadcast %rem3A_97 : i32 to vector<16xi32>
      %rem3A_99 = arith.remsi %add3A_96, %rem3A_98 : vector<16xi32>
      %convert_element_type3A_100 = arith.sitofp %add3A_96 : vector<16xi32> to vector<16xf32>
      %eq3A_101 = arith.constant 0 : i32
      %eq3A_102 = vector.broadcast %eq3A_101 : i32 to vector<16xi32>
      %eq3A_103 = arith.cmpi eq, %rem3A_99, %eq3A_102 : vector<16xi32>
      %mul3A_104 = arith.constant 2.000000e+00 : f32
      %mul3A_105 = vector.broadcast %mul3A_104 : f32 to vector<16xf32>
      %mul3A_106 = arith.mulf %mul3A_105, %convert_element_type3A_100 : vector<16xf32>
      %add3A_107 = arith.constant 1.000000e+00 : f32
      %add3A_108 = vector.broadcast %add3A_107 : f32 to vector<16xf32>
      %add3A_109 = arith.addf %mul3A_106, %add3A_108 : vector<16xf32>
      %eq3A_110 = arith.constant 1 : i32
      %eq3A_111 = vector.broadcast %eq3A_110 : i32 to vector<16xi32>
      %eq3A_112 = arith.cmpi eq, %rem3A_99, %eq3A_111 : vector<16xi32>
      %jit3A_113 = arith.constant 0.000000e+00 : f32
      %broadcast_in_dim3A_114 = vector.broadcast %jit3A_113 : f32 to vector<16xf32>
      %select_n3A_115 = arith.select %eq3A_112, %broadcast_in_dim3A_114, %convert_element_type3A_100 : vector<16xi1>, vector<16xf32>
      %select_n3A_116 = arith.select %eq3A_103, %add3A_109, %select_n3A_115 : vector<16xi1>, vector<16xf32>
      %add3A_117 = arith.constant 80 : i32
      %add3A_118 = vector.broadcast %add3A_117 : i32 to vector<16xi32>
      %add3A_119 = arith.addi %iota3A, %add3A_118 : vector<16xi32>
      %rem3A_120 = arith.constant 5 : i32
      %rem3A_121 = vector.broadcast %rem3A_120 : i32 to vector<16xi32>
      %rem3A_122 = arith.remsi %add3A_119, %rem3A_121 : vector<16xi32>
      %convert_element_type3A_123 = arith.sitofp %add3A_119 : vector<16xi32> to vector<16xf32>
      %eq3A_124 = arith.constant 0 : i32
      %eq3A_125 = vector.broadcast %eq3A_124 : i32 to vector<16xi32>
      %eq3A_126 = arith.cmpi eq, %rem3A_122, %eq3A_125 : vector<16xi32>
      %mul3A_127 = arith.constant 2.000000e+00 : f32
      %mul3A_128 = vector.broadcast %mul3A_127 : f32 to vector<16xf32>
      %mul3A_129 = arith.mulf %mul3A_128, %convert_element_type3A_123 : vector<16xf32>
      %add3A_130 = arith.constant 1.000000e+00 : f32
      %add3A_131 = vector.broadcast %add3A_130 : f32 to vector<16xf32>
      %add3A_132 = arith.addf %mul3A_129, %add3A_131 : vector<16xf32>
      %eq3A_133 = arith.constant 1 : i32
      %eq3A_134 = vector.broadcast %eq3A_133 : i32 to vector<16xi32>
      %eq3A_135 = arith.cmpi eq, %rem3A_122, %eq3A_134 : vector<16xi32>
      %jit3A_136 = arith.constant 0.000000e+00 : f32
      %broadcast_in_dim3A_137 = vector.broadcast %jit3A_136 : f32 to vector<16xf32>
      %select_n3A_138 = arith.select %eq3A_135, %broadcast_in_dim3A_137, %convert_element_type3A_123 : vector<16xi1>, vector<16xf32>
      %select_n3A_139 = arith.select %eq3A_126, %add3A_132, %select_n3A_138 : vector<16xi1>, vector<16xf32>
      %add3A_140 = arith.constant 96 : i32
      %add3A_141 = vector.broadcast %add3A_140 : i32 to vector<16xi32>
      %add3A_142 = arith.addi %iota3A, %add3A_141 : vector<16xi32>
      %rem3A_143 = arith.constant 5 : i32
      %rem3A_144 = vector.broadcast %rem3A_143 : i32 to vector<16xi32>
      %rem3A_145 = arith.remsi %add3A_142, %rem3A_144 : vector<16xi32>
      %convert_element_type3A_146 = arith.sitofp %add3A_142 : vector<16xi32> to vector<16xf32>
      %eq3A_147 = arith.constant 0 : i32
      %eq3A_148 = vector.broadcast %eq3A_147 : i32 to vector<16xi32>
      %eq3A_149 = arith.cmpi eq, %rem3A_145, %eq3A_148 : vector<16xi32>
      %mul3A_150 = arith.constant 2.000000e+00 : f32
      %mul3A_151 = vector.broadcast %mul3A_150 : f32 to vector<16xf32>
      %mul3A_152 = arith.mulf %mul3A_151, %convert_element_type3A_146 : vector<16xf32>
      %add3A_153 = arith.constant 1.000000e+00 : f32
      %add3A_154 = vector.broadcast %add3A_153 : f32 to vector<16xf32>
      %add3A_155 = arith.addf %mul3A_152, %add3A_154 : vector<16xf32>
      %eq3A_156 = arith.constant 1 : i32
      %eq3A_157 = vector.broadcast %eq3A_156 : i32 to vector<16xi32>
      %eq3A_158 = arith.cmpi eq, %rem3A_145, %eq3A_157 : vector<16xi32>
      %jit3A_159 = arith.constant 0.000000e+00 : f32
      %broadcast_in_dim3A_160 = vector.broadcast %jit3A_159 : f32 to vector<16xf32>
      %select_n3A_161 = arith.select %eq3A_158, %broadcast_in_dim3A_160, %convert_element_type3A_146 : vector<16xi1>, vector<16xf32>
      %select_n3A_162 = arith.select %eq3A_149, %add3A_155, %select_n3A_161 : vector<16xi1>, vector<16xf32>
      %add3A_163 = arith.constant 112 : i32
      %add3A_164 = vector.broadcast %add3A_163 : i32 to vector<16xi32>
      %add3A_165 = arith.addi %iota3A, %add3A_164 : vector<16xi32>
      %rem3A_166 = arith.constant 5 : i32
      %rem3A_167 = vector.broadcast %rem3A_166 : i32 to vector<16xi32>
      %rem3A_168 = arith.remsi %add3A_165, %rem3A_167 : vector<16xi32>
      %convert_element_type3A_169 = arith.sitofp %add3A_165 : vector<16xi32> to vector<16xf32>
      %eq3A_170 = arith.constant 0 : i32
      %eq3A_171 = vector.broadcast %eq3A_170 : i32 to vector<16xi32>
      %eq3A_172 = arith.cmpi eq, %rem3A_168, %eq3A_171 : vector<16xi32>
      %mul3A_173 = arith.constant 2.000000e+00 : f32
      %mul3A_174 = vector.broadcast %mul3A_173 : f32 to vector<16xf32>
      %mul3A_175 = arith.mulf %mul3A_174, %convert_element_type3A_169 : vector<16xf32>
      %add3A_176 = arith.constant 1.000000e+00 : f32
      %add3A_177 = vector.broadcast %add3A_176 : f32 to vector<16xf32>
      %add3A_178 = arith.addf %mul3A_175, %add3A_177 : vector<16xf32>
      %eq3A_179 = arith.constant 1 : i32
      %eq3A_180 = vector.broadcast %eq3A_179 : i32 to vector<16xi32>
      %eq3A_181 = arith.cmpi eq, %rem3A_168, %eq3A_180 : vector<16xi32>
      %jit3A_182 = arith.constant 0.000000e+00 : f32
      %broadcast_in_dim3A_183 = vector.broadcast %jit3A_182 : f32 to vector<16xf32>
      %select_n3A_184 = arith.select %eq3A_181, %broadcast_in_dim3A_183, %convert_element_type3A_169 : vector<16xi1>, vector<16xf32>
      %select_n3A_185 = arith.select %eq3A_172, %add3A_178, %select_n3A_184 : vector<16xi1>, vector<16xf32>
      %add3A_186 = arith.constant 128 : i32
      %add3A_187 = vector.broadcast %add3A_186 : i32 to vector<16xi32>
      %add3A_188 = arith.addi %iota3A, %add3A_187 : vector<16xi32>
      %rem3A_189 = arith.constant 5 : i32
      %rem3A_190 = vector.broadcast %rem3A_189 : i32 to vector<16xi32>
      %rem3A_191 = arith.remsi %add3A_188, %rem3A_190 : vector<16xi32>
      %convert_element_type3A_192 = arith.sitofp %add3A_188 : vector<16xi32> to vector<16xf32>
      %eq3A_193 = arith.constant 0 : i32
      %eq3A_194 = vector.broadcast %eq3A_193 : i32 to vector<16xi32>
      %eq3A_195 = arith.cmpi eq, %rem3A_191, %eq3A_194 : vector<16xi32>
      %mul3A_196 = arith.constant 2.000000e+00 : f32
      %mul3A_197 = vector.broadcast %mul3A_196 : f32 to vector<16xf32>
      %mul3A_198 = arith.mulf %mul3A_197, %convert_element_type3A_192 : vector<16xf32>
      %add3A_199 = arith.constant 1.000000e+00 : f32
      %add3A_200 = vector.broadcast %add3A_199 : f32 to vector<16xf32>
      %add3A_201 = arith.addf %mul3A_198, %add3A_200 : vector<16xf32>
      %eq3A_202 = arith.constant 1 : i32
      %eq3A_203 = vector.broadcast %eq3A_202 : i32 to vector<16xi32>
      %eq3A_204 = arith.cmpi eq, %rem3A_191, %eq3A_203 : vector<16xi32>
      %jit3A_205 = arith.constant 0.000000e+00 : f32
      %broadcast_in_dim3A_206 = vector.broadcast %jit3A_205 : f32 to vector<16xf32>
      %select_n3A_207 = arith.select %eq3A_204, %broadcast_in_dim3A_206, %convert_element_type3A_192 : vector<16xi1>, vector<16xf32>
      %select_n3A_208 = arith.select %eq3A_195, %add3A_201, %select_n3A_207 : vector<16xi1>, vector<16xf32>
      %add3A_209 = arith.constant 144 : i32
      %add3A_210 = vector.broadcast %add3A_209 : i32 to vector<16xi32>
      %add3A_211 = arith.addi %iota3A, %add3A_210 : vector<16xi32>
      %rem3A_212 = arith.constant 5 : i32
      %rem3A_213 = vector.broadcast %rem3A_212 : i32 to vector<16xi32>
      %rem3A_214 = arith.remsi %add3A_211, %rem3A_213 : vector<16xi32>
      %convert_element_type3A_215 = arith.sitofp %add3A_211 : vector<16xi32> to vector<16xf32>
      %eq3A_216 = arith.constant 0 : i32
      %eq3A_217 = vector.broadcast %eq3A_216 : i32 to vector<16xi32>
      %eq3A_218 = arith.cmpi eq, %rem3A_214, %eq3A_217 : vector<16xi32>
      %mul3A_219 = arith.constant 2.000000e+00 : f32
      %mul3A_220 = vector.broadcast %mul3A_219 : f32 to vector<16xf32>
      %mul3A_221 = arith.mulf %mul3A_220, %convert_element_type3A_215 : vector<16xf32>
      %add3A_222 = arith.constant 1.000000e+00 : f32
      %add3A_223 = vector.broadcast %add3A_222 : f32 to vector<16xf32>
      %add3A_224 = arith.addf %mul3A_221, %add3A_223 : vector<16xf32>
      %eq3A_225 = arith.constant 1 : i32
      %eq3A_226 = vector.broadcast %eq3A_225 : i32 to vector<16xi32>
      %eq3A_227 = arith.cmpi eq, %rem3A_214, %eq3A_226 : vector<16xi32>
      %jit3A_228 = arith.constant 0.000000e+00 : f32
      %broadcast_in_dim3A_229 = vector.broadcast %jit3A_228 : f32 to vector<16xf32>
      %select_n3A_230 = arith.select %eq3A_227, %broadcast_in_dim3A_229, %convert_element_type3A_215 : vector<16xi1>, vector<16xf32>
      %select_n3A_231 = arith.select %eq3A_218, %add3A_224, %select_n3A_230 : vector<16xi1>, vector<16xf32>
      %add3A_232 = arith.constant 160 : i32
      %add3A_233 = vector.broadcast %add3A_232 : i32 to vector<16xi32>
      %add3A_234 = arith.addi %iota3A, %add3A_233 : vector<16xi32>
      %rem3A_235 = arith.constant 5 : i32
      %rem3A_236 = vector.broadcast %rem3A_235 : i32 to vector<16xi32>
      %rem3A_237 = arith.remsi %add3A_234, %rem3A_236 : vector<16xi32>
      %convert_element_type3A_238 = arith.sitofp %add3A_234 : vector<16xi32> to vector<16xf32>
      %eq3A_239 = arith.constant 0 : i32
      %eq3A_240 = vector.broadcast %eq3A_239 : i32 to vector<16xi32>
      %eq3A_241 = arith.cmpi eq, %rem3A_237, %eq3A_240 : vector<16xi32>
      %mul3A_242 = arith.constant 2.000000e+00 : f32
      %mul3A_243 = vector.broadcast %mul3A_242 : f32 to vector<16xf32>
      %mul3A_244 = arith.mulf %mul3A_243, %convert_element_type3A_238 : vector<16xf32>
      %add3A_245 = arith.constant 1.000000e+00 : f32
      %add3A_246 = vector.broadcast %add3A_245 : f32 to vector<16xf32>
      %add3A_247 = arith.addf %mul3A_244, %add3A_246 : vector<16xf32>
      %eq3A_248 = arith.constant 1 : i32
      %eq3A_249 = vector.broadcast %eq3A_248 : i32 to vector<16xi32>
      %eq3A_250 = arith.cmpi eq, %rem3A_237, %eq3A_249 : vector<16xi32>
      %jit3A_251 = arith.constant 0.000000e+00 : f32
      %broadcast_in_dim3A_252 = vector.broadcast %jit3A_251 : f32 to vector<16xf32>
      %select_n3A_253 = arith.select %eq3A_250, %broadcast_in_dim3A_252, %convert_element_type3A_238 : vector<16xi1>, vector<16xf32>
      %select_n3A_254 = arith.select %eq3A_241, %add3A_247, %select_n3A_253 : vector<16xi1>, vector<16xf32>
      %add3A_255 = arith.constant 176 : i32
      %add3A_256 = vector.broadcast %add3A_255 : i32 to vector<16xi32>
      %add3A_257 = arith.addi %iota3A, %add3A_256 : vector<16xi32>
      %rem3A_258 = arith.constant 5 : i32
      %rem3A_259 = vector.broadcast %rem3A_258 : i32 to vector<16xi32>
      %rem3A_260 = arith.remsi %add3A_257, %rem3A_259 : vector<16xi32>
      %convert_element_type3A_261 = arith.sitofp %add3A_257 : vector<16xi32> to vector<16xf32>
      %eq3A_262 = arith.constant 0 : i32
      %eq3A_263 = vector.broadcast %eq3A_262 : i32 to vector<16xi32>
      %eq3A_264 = arith.cmpi eq, %rem3A_260, %eq3A_263 : vector<16xi32>
      %mul3A_265 = arith.constant 2.000000e+00 : f32
      %mul3A_266 = vector.broadcast %mul3A_265 : f32 to vector<16xf32>
      %mul3A_267 = arith.mulf %mul3A_266, %convert_element_type3A_261 : vector<16xf32>
      %add3A_268 = arith.constant 1.000000e+00 : f32
      %add3A_269 = vector.broadcast %add3A_268 : f32 to vector<16xf32>
      %add3A_270 = arith.addf %mul3A_267, %add3A_269 : vector<16xf32>
      %eq3A_271 = arith.constant 1 : i32
      %eq3A_272 = vector.broadcast %eq3A_271 : i32 to vector<16xi32>
      %eq3A_273 = arith.cmpi eq, %rem3A_260, %eq3A_272 : vector<16xi32>
      %jit3A_274 = arith.constant 0.000000e+00 : f32
      %broadcast_in_dim3A_275 = vector.broadcast %jit3A_274 : f32 to vector<16xf32>
      %select_n3A_276 = arith.select %eq3A_273, %broadcast_in_dim3A_275, %convert_element_type3A_261 : vector<16xi1>, vector<16xf32>
      %select_n3A_277 = arith.select %eq3A_264, %add3A_270, %select_n3A_276 : vector<16xi1>, vector<16xf32>
      %add3A_278 = arith.constant 192 : i32
      %add3A_279 = vector.broadcast %add3A_278 : i32 to vector<16xi32>
      %add3A_280 = arith.addi %iota3A, %add3A_279 : vector<16xi32>
      %rem3A_281 = arith.constant 5 : i32
      %rem3A_282 = vector.broadcast %rem3A_281 : i32 to vector<16xi32>
      %rem3A_283 = arith.remsi %add3A_280, %rem3A_282 : vector<16xi32>
      %convert_element_type3A_284 = arith.sitofp %add3A_280 : vector<16xi32> to vector<16xf32>
      %eq3A_285 = arith.constant 0 : i32
      %eq3A_286 = vector.broadcast %eq3A_285 : i32 to vector<16xi32>
      %eq3A_287 = arith.cmpi eq, %rem3A_283, %eq3A_286 : vector<16xi32>
      %mul3A_288 = arith.constant 2.000000e+00 : f32
      %mul3A_289 = vector.broadcast %mul3A_288 : f32 to vector<16xf32>
      %mul3A_290 = arith.mulf %mul3A_289, %convert_element_type3A_284 : vector<16xf32>
      %add3A_291 = arith.constant 1.000000e+00 : f32
      %add3A_292 = vector.broadcast %add3A_291 : f32 to vector<16xf32>
      %add3A_293 = arith.addf %mul3A_290, %add3A_292 : vector<16xf32>
      %eq3A_294 = arith.constant 1 : i32
      %eq3A_295 = vector.broadcast %eq3A_294 : i32 to vector<16xi32>
      %eq3A_296 = arith.cmpi eq, %rem3A_283, %eq3A_295 : vector<16xi32>
      %jit3A_297 = arith.constant 0.000000e+00 : f32
      %broadcast_in_dim3A_298 = vector.broadcast %jit3A_297 : f32 to vector<16xf32>
      %select_n3A_299 = arith.select %eq3A_296, %broadcast_in_dim3A_298, %convert_element_type3A_284 : vector<16xi1>, vector<16xf32>
      %select_n3A_300 = arith.select %eq3A_287, %add3A_293, %select_n3A_299 : vector<16xi1>, vector<16xf32>
      %add3A_301 = arith.constant 208 : i32
      %add3A_302 = vector.broadcast %add3A_301 : i32 to vector<16xi32>
      %add3A_303 = arith.addi %iota3A, %add3A_302 : vector<16xi32>
      %rem3A_304 = arith.constant 5 : i32
      %rem3A_305 = vector.broadcast %rem3A_304 : i32 to vector<16xi32>
      %rem3A_306 = arith.remsi %add3A_303, %rem3A_305 : vector<16xi32>
      %convert_element_type3A_307 = arith.sitofp %add3A_303 : vector<16xi32> to vector<16xf32>
      %eq3A_308 = arith.constant 0 : i32
      %eq3A_309 = vector.broadcast %eq3A_308 : i32 to vector<16xi32>
      %eq3A_310 = arith.cmpi eq, %rem3A_306, %eq3A_309 : vector<16xi32>
      %mul3A_311 = arith.constant 2.000000e+00 : f32
      %mul3A_312 = vector.broadcast %mul3A_311 : f32 to vector<16xf32>
      %mul3A_313 = arith.mulf %mul3A_312, %convert_element_type3A_307 : vector<16xf32>
      %add3A_314 = arith.constant 1.000000e+00 : f32
      %add3A_315 = vector.broadcast %add3A_314 : f32 to vector<16xf32>
      %add3A_316 = arith.addf %mul3A_313, %add3A_315 : vector<16xf32>
      %eq3A_317 = arith.constant 1 : i32
      %eq3A_318 = vector.broadcast %eq3A_317 : i32 to vector<16xi32>
      %eq3A_319 = arith.cmpi eq, %rem3A_306, %eq3A_318 : vector<16xi32>
      %jit3A_320 = arith.constant 0.000000e+00 : f32
      %broadcast_in_dim3A_321 = vector.broadcast %jit3A_320 : f32 to vector<16xf32>
      %select_n3A_322 = arith.select %eq3A_319, %broadcast_in_dim3A_321, %convert_element_type3A_307 : vector<16xi1>, vector<16xf32>
      %select_n3A_323 = arith.select %eq3A_310, %add3A_316, %select_n3A_322 : vector<16xi1>, vector<16xf32>
      %add3A_324 = arith.constant 224 : i32
      %add3A_325 = vector.broadcast %add3A_324 : i32 to vector<16xi32>
      %add3A_326 = arith.addi %iota3A, %add3A_325 : vector<16xi32>
      %rem3A_327 = arith.constant 5 : i32
      %rem3A_328 = vector.broadcast %rem3A_327 : i32 to vector<16xi32>
      %rem3A_329 = arith.remsi %add3A_326, %rem3A_328 : vector<16xi32>
      %convert_element_type3A_330 = arith.sitofp %add3A_326 : vector<16xi32> to vector<16xf32>
      %eq3A_331 = arith.constant 0 : i32
      %eq3A_332 = vector.broadcast %eq3A_331 : i32 to vector<16xi32>
      %eq3A_333 = arith.cmpi eq, %rem3A_329, %eq3A_332 : vector<16xi32>
      %mul3A_334 = arith.constant 2.000000e+00 : f32
      %mul3A_335 = vector.broadcast %mul3A_334 : f32 to vector<16xf32>
      %mul3A_336 = arith.mulf %mul3A_335, %convert_element_type3A_330 : vector<16xf32>
      %add3A_337 = arith.constant 1.000000e+00 : f32
      %add3A_338 = vector.broadcast %add3A_337 : f32 to vector<16xf32>
      %add3A_339 = arith.addf %mul3A_336, %add3A_338 : vector<16xf32>
      %eq3A_340 = arith.constant 1 : i32
      %eq3A_341 = vector.broadcast %eq3A_340 : i32 to vector<16xi32>
      %eq3A_342 = arith.cmpi eq, %rem3A_329, %eq3A_341 : vector<16xi32>
      %jit3A_343 = arith.constant 0.000000e+00 : f32
      %broadcast_in_dim3A_344 = vector.broadcast %jit3A_343 : f32 to vector<16xf32>
      %select_n3A_345 = arith.select %eq3A_342, %broadcast_in_dim3A_344, %convert_element_type3A_330 : vector<16xi1>, vector<16xf32>
      %select_n3A_346 = arith.select %eq3A_333, %add3A_339, %select_n3A_345 : vector<16xi1>, vector<16xf32>
      %add3A_347 = arith.constant 240 : i32
      %add3A_348 = vector.broadcast %add3A_347 : i32 to vector<16xi32>
      %add3A_349 = arith.addi %iota3A, %add3A_348 : vector<16xi32>
      %rem3A_350 = arith.constant 5 : i32
      %rem3A_351 = vector.broadcast %rem3A_350 : i32 to vector<16xi32>
      %rem3A_352 = arith.remsi %add3A_349, %rem3A_351 : vector<16xi32>
      %convert_element_type3A_353 = arith.sitofp %add3A_349 : vector<16xi32> to vector<16xf32>
      %eq3A_354 = arith.constant 0 : i32
      %eq3A_355 = vector.broadcast %eq3A_354 : i32 to vector<16xi32>
      %eq3A_356 = arith.cmpi eq, %rem3A_352, %eq3A_355 : vector<16xi32>
      %mul3A_357 = arith.constant 2.000000e+00 : f32
      %mul3A_358 = vector.broadcast %mul3A_357 : f32 to vector<16xf32>
      %mul3A_359 = arith.mulf %mul3A_358, %convert_element_type3A_353 : vector<16xf32>
      %add3A_360 = arith.constant 1.000000e+00 : f32
      %add3A_361 = vector.broadcast %add3A_360 : f32 to vector<16xf32>
      %add3A_362 = arith.addf %mul3A_359, %add3A_361 : vector<16xf32>
      %eq3A_363 = arith.constant 1 : i32
      %eq3A_364 = vector.broadcast %eq3A_363 : i32 to vector<16xi32>
      %eq3A_365 = arith.cmpi eq, %rem3A_352, %eq3A_364 : vector<16xi32>
      %jit3A_366 = arith.constant 0.000000e+00 : f32
      %broadcast_in_dim3A_367 = vector.broadcast %jit3A_366 : f32 to vector<16xf32>
      %select_n3A_368 = arith.select %eq3A_365, %broadcast_in_dim3A_367, %convert_element_type3A_353 : vector<16xi1>, vector<16xf32>
      %select_n3A_369 = arith.select %eq3A_356, %add3A_362, %select_n3A_368 : vector<16xi1>, vector<16xf32>
      %add3A_370 = arith.constant 256 : i32
      %add3A_371 = vector.broadcast %add3A_370 : i32 to vector<16xi32>
      %add3A_372 = arith.addi %iota3A, %add3A_371 : vector<16xi32>
      %rem3A_373 = arith.constant 5 : i32
      %rem3A_374 = vector.broadcast %rem3A_373 : i32 to vector<16xi32>
      %rem3A_375 = arith.remsi %add3A_372, %rem3A_374 : vector<16xi32>
      %convert_element_type3A_376 = arith.sitofp %add3A_372 : vector<16xi32> to vector<16xf32>
      %eq3A_377 = arith.constant 0 : i32
      %eq3A_378 = vector.broadcast %eq3A_377 : i32 to vector<16xi32>
      %eq3A_379 = arith.cmpi eq, %rem3A_375, %eq3A_378 : vector<16xi32>
      %mul3A_380 = arith.constant 2.000000e+00 : f32
      %mul3A_381 = vector.broadcast %mul3A_380 : f32 to vector<16xf32>
      %mul3A_382 = arith.mulf %mul3A_381, %convert_element_type3A_376 : vector<16xf32>
      %add3A_383 = arith.constant 1.000000e+00 : f32
      %add3A_384 = vector.broadcast %add3A_383 : f32 to vector<16xf32>
      %add3A_385 = arith.addf %mul3A_382, %add3A_384 : vector<16xf32>
      %eq3A_386 = arith.constant 1 : i32
      %eq3A_387 = vector.broadcast %eq3A_386 : i32 to vector<16xi32>
      %eq3A_388 = arith.cmpi eq, %rem3A_375, %eq3A_387 : vector<16xi32>
      %jit3A_389 = arith.constant 0.000000e+00 : f32
      %broadcast_in_dim3A_390 = vector.broadcast %jit3A_389 : f32 to vector<16xf32>
      %select_n3A_391 = arith.select %eq3A_388, %broadcast_in_dim3A_390, %convert_element_type3A_376 : vector<16xi1>, vector<16xf32>
      %select_n3A_392 = arith.select %eq3A_379, %add3A_385, %select_n3A_391 : vector<16xi1>, vector<16xf32>
      %add3A_393 = arith.constant 272 : i32
      %add3A_394 = vector.broadcast %add3A_393 : i32 to vector<16xi32>
      %add3A_395 = arith.addi %iota3A, %add3A_394 : vector<16xi32>
      %rem3A_396 = arith.constant 5 : i32
      %rem3A_397 = vector.broadcast %rem3A_396 : i32 to vector<16xi32>
      %rem3A_398 = arith.remsi %add3A_395, %rem3A_397 : vector<16xi32>
      %convert_element_type3A_399 = arith.sitofp %add3A_395 : vector<16xi32> to vector<16xf32>
      %eq3A_400 = arith.constant 0 : i32
      %eq3A_401 = vector.broadcast %eq3A_400 : i32 to vector<16xi32>
      %eq3A_402 = arith.cmpi eq, %rem3A_398, %eq3A_401 : vector<16xi32>
      %mul3A_403 = arith.constant 2.000000e+00 : f32
      %mul3A_404 = vector.broadcast %mul3A_403 : f32 to vector<16xf32>
      %mul3A_405 = arith.mulf %mul3A_404, %convert_element_type3A_399 : vector<16xf32>
      %add3A_406 = arith.constant 1.000000e+00 : f32
      %add3A_407 = vector.broadcast %add3A_406 : f32 to vector<16xf32>
      %add3A_408 = arith.addf %mul3A_405, %add3A_407 : vector<16xf32>
      %eq3A_409 = arith.constant 1 : i32
      %eq3A_410 = vector.broadcast %eq3A_409 : i32 to vector<16xi32>
      %eq3A_411 = arith.cmpi eq, %rem3A_398, %eq3A_410 : vector<16xi32>
      %jit3A_412 = arith.constant 0.000000e+00 : f32
      %broadcast_in_dim3A_413 = vector.broadcast %jit3A_412 : f32 to vector<16xf32>
      %select_n3A_414 = arith.select %eq3A_411, %broadcast_in_dim3A_413, %convert_element_type3A_399 : vector<16xi1>, vector<16xf32>
      %select_n3A_415 = arith.select %eq3A_402, %add3A_408, %select_n3A_414 : vector<16xi1>, vector<16xf32>
      %add3A_416 = arith.constant 288 : i32
      %add3A_417 = vector.broadcast %add3A_416 : i32 to vector<16xi32>
      %add3A_418 = arith.addi %iota3A, %add3A_417 : vector<16xi32>
      %rem3A_419 = arith.constant 5 : i32
      %rem3A_420 = vector.broadcast %rem3A_419 : i32 to vector<16xi32>
      %rem3A_421 = arith.remsi %add3A_418, %rem3A_420 : vector<16xi32>
      %convert_element_type3A_422 = arith.sitofp %add3A_418 : vector<16xi32> to vector<16xf32>
      %eq3A_423 = arith.constant 0 : i32
      %eq3A_424 = vector.broadcast %eq3A_423 : i32 to vector<16xi32>
      %eq3A_425 = arith.cmpi eq, %rem3A_421, %eq3A_424 : vector<16xi32>
      %mul3A_426 = arith.constant 2.000000e+00 : f32
      %mul3A_427 = vector.broadcast %mul3A_426 : f32 to vector<16xf32>
      %mul3A_428 = arith.mulf %mul3A_427, %convert_element_type3A_422 : vector<16xf32>
      %add3A_429 = arith.constant 1.000000e+00 : f32
      %add3A_430 = vector.broadcast %add3A_429 : f32 to vector<16xf32>
      %add3A_431 = arith.addf %mul3A_428, %add3A_430 : vector<16xf32>
      %eq3A_432 = arith.constant 1 : i32
      %eq3A_433 = vector.broadcast %eq3A_432 : i32 to vector<16xi32>
      %eq3A_434 = arith.cmpi eq, %rem3A_421, %eq3A_433 : vector<16xi32>
      %jit3A_435 = arith.constant 0.000000e+00 : f32
      %broadcast_in_dim3A_436 = vector.broadcast %jit3A_435 : f32 to vector<16xf32>
      %select_n3A_437 = arith.select %eq3A_434, %broadcast_in_dim3A_436, %convert_element_type3A_422 : vector<16xi1>, vector<16xf32>
      %select_n3A_438 = arith.select %eq3A_425, %add3A_431, %select_n3A_437 : vector<16xi1>, vector<16xf32>
      %dma_wait3A = arith.constant 0 : i32
      %dma_wait3A_439 = tpu.memref_slice %arg4[%dma_wait3A] : memref<304xf32, #tpu.memory_space<vmem>> -> memref<300xf32, #tpu.memory_space<vmem>>
      %dma_wait3A_440 = arith.constant 0 : i32
      %dma_wait3A_441 = tpu.memref_slice %arg4[%dma_wait3A_440] : memref<304xf32, #tpu.memory_space<vmem>> -> memref<300xf32, #tpu.memory_space<vmem>>
      tpu.wait_dma2 semaphore(%arg6 : memref<!tpu.dma_semaphore, #tpu.memory_space<semaphore_mem>>) src(%arg2 : memref<300xf32, #tpu.memory_space<hbm>>) dst(%dma_wait3A_441 : memref<300xf32, #tpu.memory_space<vmem>>)
      %get3A = arith.constant 0 : index
      %get3A_442 = tpu.vector_load %arg4[%get3A] {strides = array<i32>} : memref<304xf32, #tpu.memory_space<vmem>>, vector<16xf32>,
      %get3A_443 = vector.shape_cast %get3A_442 : vector<16xf32> to vector<16xf32>
      %add3A_444 = arith.addf %get3A_443, %select_n3A_24 : vector<16xf32>
      %swap3A = arith.constant 0 : index
      %swap3A_445 = tpu.vector_load %arg5[%swap3A] {strides = array<i32>} : memref<304xf32, #tpu.memory_space<vmem>>, vector<16xf32>,
      %swap3A_446 = vector.shape_cast %swap3A_445 : vector<16xf32> to vector<16xf32>
      %swap3A_447 = vector.shape_cast %add3A_444 : vector<16xf32> to vector<16xf32>
      tpu.vector_store %arg5[%swap3A], %swap3A_447 {strides = array<i32>} : memref<304xf32, #tpu.memory_space<vmem>>, vector<16xf32>,
      %get3A_448 = arith.constant 16 : index
      %get3A_449 = tpu.vector_load %arg4[%get3A_448] {strides = array<i32>} : memref<304xf32, #tpu.memory_space<vmem>>, vector<16xf32>,
      %get3A_450 = vector.shape_cast %get3A_449 : vector<16xf32> to vector<16xf32>
      %add3A_451 = arith.addf %get3A_450, %select_n3A_47 : vector<16xf32>
      %swap3A_452 = arith.constant 16 : index
      %swap3A_453 = tpu.vector_load %arg5[%swap3A_452] {strides = array<i32>} : memref<304xf32, #tpu.memory_space<vmem>>, vector<16xf32>,
      %swap3A_454 = vector.shape_cast %swap3A_453 : vector<16xf32> to vector<16xf32>
      %swap3A_455 = vector.shape_cast %add3A_451 : vector<16xf32> to vector<16xf32>
      tpu.vector_store %arg5[%swap3A_452], %swap3A_455 {strides = array<i32>} : memref<304xf32, #tpu.memory_space<vmem>>, vector<16xf32>,
      %get3A_456 = arith.constant 32 : index
      %get3A_457 = tpu.vector_load %arg4[%get3A_456] {strides = array<i32>} : memref<304xf32, #tpu.memory_space<vmem>>, vector<16xf32>,
      %get3A_458 = vector.shape_cast %get3A_457 : vector<16xf32> to vector<16xf32>
      %add3A_459 = arith.addf %get3A_458, %select_n3A_70 : vector<16xf32>
      %swap3A_460 = arith.constant 32 : index
      %swap3A_461 = tpu.vector_load %arg5[%swap3A_460] {strides = array<i32>} : memref<304xf32, #tpu.memory_space<vmem>>, vector<16xf32>,
      %swap3A_462 = vector.shape_cast %swap3A_461 : vector<16xf32> to vector<16xf32>
      %swap3A_463 = vector.shape_cast %add3A_459 : vector<16xf32> to vector<16xf32>
      tpu.vector_store %arg5[%swap3A_460], %swap3A_463 {strides = array<i32>} : memref<304xf32, #tpu.memory_space<vmem>>, vector<16xf32>,
      %get3A_464 = arith.constant 48 : index
      %get3A_465 = tpu.vector_load %arg4[%get3A_464] {strides = array<i32>} : memref<304xf32, #tpu.memory_space<vmem>>, vector<16xf32>,
      %get3A_466 = vector.shape_cast %get3A_465 : vector<16xf32> to vector<16xf32>
      %add3A_467 = arith.addf %get3A_466, %select_n3A_93 : vector<16xf32>
      %swap3A_468 = arith.constant 48 : index
      %swap3A_469 = tpu.vector_load %arg5[%swap3A_468] {strides = array<i32>} : memref<304xf32, #tpu.memory_space<vmem>>, vector<16xf32>,
      %swap3A_470 = vector.shape_cast %swap3A_469 : vector<16xf32> to vector<16xf32>
      %swap3A_471 = vector.shape_cast %add3A_467 : vector<16xf32> to vector<16xf32>
      tpu.vector_store %arg5[%swap3A_468], %swap3A_471 {strides = array<i32>} : memref<304xf32, #tpu.memory_space<vmem>>, vector<16xf32>,
      %get3A_472 = arith.constant 64 : index
      %get3A_473 = tpu.vector_load %arg4[%get3A_472] {strides = array<i32>} : memref<304xf32, #tpu.memory_space<vmem>>, vector<16xf32>,
      %get3A_474 = vector.shape_cast %get3A_473 : vector<16xf32> to vector<16xf32>
      %add3A_475 = arith.addf %get3A_474, %select_n3A_116 : vector<16xf32>
      %swap3A_476 = arith.constant 64 : index
      %swap3A_477 = tpu.vector_load %arg5[%swap3A_476] {strides = array<i32>} : memref<304xf32, #tpu.memory_space<vmem>>, vector<16xf32>,
      %swap3A_478 = vector.shape_cast %swap3A_477 : vector<16xf32> to vector<16xf32>
      %swap3A_479 = vector.shape_cast %add3A_475 : vector<16xf32> to vector<16xf32>
      tpu.vector_store %arg5[%swap3A_476], %swap3A_479 {strides = array<i32>} : memref<304xf32, #tpu.memory_space<vmem>>, vector<16xf32>,
      %get3A_480 = arith.constant 80 : index
      %get3A_481 = tpu.vector_load %arg4[%get3A_480] {strides = array<i32>} : memref<304xf32, #tpu.memory_space<vmem>>, vector<16xf32>,
      %get3A_482 = vector.shape_cast %get3A_481 : vector<16xf32> to vector<16xf32>
      %add3A_483 = arith.addf %get3A_482, %select_n3A_139 : vector<16xf32>
      %swap3A_484 = arith.constant 80 : index
      %swap3A_485 = tpu.vector_load %arg5[%swap3A_484] {strides = array<i32>} : memref<304xf32, #tpu.memory_space<vmem>>, vector<16xf32>,
      %swap3A_486 = vector.shape_cast %swap3A_485 : vector<16xf32> to vector<16xf32>
      %swap3A_487 = vector.shape_cast %add3A_483 : vector<16xf32> to vector<16xf32>
      tpu.vector_store %arg5[%swap3A_484], %swap3A_487 {strides = array<i32>} : memref<304xf32, #tpu.memory_space<vmem>>, vector<16xf32>,
      %get3A_488 = arith.constant 96 : index
      %get3A_489 = tpu.vector_load %arg4[%get3A_488] {strides = array<i32>} : memref<304xf32, #tpu.memory_space<vmem>>, vector<16xf32>,
      %get3A_490 = vector.shape_cast %get3A_489 : vector<16xf32> to vector<16xf32>
      %add3A_491 = arith.addf %get3A_490, %select_n3A_162 : vector<16xf32>
      %swap3A_492 = arith.constant 96 : index
      %swap3A_493 = tpu.vector_load %arg5[%swap3A_492] {strides = array<i32>} : memref<304xf32, #tpu.memory_space<vmem>>, vector<16xf32>,
      %swap3A_494 = vector.shape_cast %swap3A_493 : vector<16xf32> to vector<16xf32>
      %swap3A_495 = vector.shape_cast %add3A_491 : vector<16xf32> to vector<16xf32>
      tpu.vector_store %arg5[%swap3A_492], %swap3A_495 {strides = array<i32>} : memref<304xf32, #tpu.memory_space<vmem>>, vector<16xf32>,
      %get3A_496 = arith.constant 112 : index
      %get3A_497 = tpu.vector_load %arg4[%get3A_496] {strides = array<i32>} : memref<304xf32, #tpu.memory_space<vmem>>, vector<16xf32>,
      %get3A_498 = vector.shape_cast %get3A_497 : vector<16xf32> to vector<16xf32>
      %add3A_499 = arith.addf %get3A_498, %select_n3A_185 : vector<16xf32>
      %swap3A_500 = arith.constant 112 : index
      %swap3A_501 = tpu.vector_load %arg5[%swap3A_500] {strides = array<i32>} : memref<304xf32, #tpu.memory_space<vmem>>, vector<16xf32>,
      %swap3A_502 = vector.shape_cast %swap3A_501 : vector<16xf32> to vector<16xf32>
      %swap3A_503 = vector.shape_cast %add3A_499 : vector<16xf32> to vector<16xf32>
      tpu.vector_store %arg5[%swap3A_500], %swap3A_503 {strides = array<i32>} : memref<304xf32, #tpu.memory_space<vmem>>, vector<16xf32>,
      %get3A_504 = arith.constant 128 : index
      %get3A_505 = tpu.vector_load %arg4[%get3A_504] {strides = array<i32>} : memref<304xf32, #tpu.memory_space<vmem>>, vector<16xf32>,
      %get3A_506 = vector.shape_cast %get3A_505 : vector<16xf32> to vector<16xf32>
      %add3A_507 = arith.addf %get3A_506, %select_n3A_208 : vector<16xf32>
      %swap3A_508 = arith.constant 128 : index
      %swap3A_509 = tpu.vector_load %arg5[%swap3A_508] {strides = array<i32>} : memref<304xf32, #tpu.memory_space<vmem>>, vector<16xf32>,
      %swap3A_510 = vector.shape_cast %swap3A_509 : vector<16xf32> to vector<16xf32>
      %swap3A_511 = vector.shape_cast %add3A_507 : vector<16xf32> to vector<16xf32>
      tpu.vector_store %arg5[%swap3A_508], %swap3A_511 {strides = array<i32>} : memref<304xf32, #tpu.memory_space<vmem>>, vector<16xf32>,
      %get3A_512 = arith.constant 144 : index
      %get3A_513 = tpu.vector_load %arg4[%get3A_512] {strides = array<i32>} : memref<304xf32, #tpu.memory_space<vmem>>, vector<16xf32>,
      %get3A_514 = vector.shape_cast %get3A_513 : vector<16xf32> to vector<16xf32>
      %add3A_515 = arith.addf %get3A_514, %select_n3A_231 : vector<16xf32>
      %swap3A_516 = arith.constant 144 : index
      %swap3A_517 = tpu.vector_load %arg5[%swap3A_516] {strides = array<i32>} : memref<304xf32, #tpu.memory_space<vmem>>, vector<16xf32>,
      %swap3A_518 = vector.shape_cast %swap3A_517 : vector<16xf32> to vector<16xf32>
      %swap3A_519 = vector.shape_cast %add3A_515 : vector<16xf32> to vector<16xf32>
      tpu.vector_store %arg5[%swap3A_516], %swap3A_519 {strides = array<i32>} : memref<304xf32, #tpu.memory_space<vmem>>, vector<16xf32>,
      %get3A_520 = arith.constant 160 : index
      %get3A_521 = tpu.vector_load %arg4[%get3A_520] {strides = array<i32>} : memref<304xf32, #tpu.memory_space<vmem>>, vector<16xf32>,
      %get3A_522 = vector.shape_cast %get3A_521 : vector<16xf32> to vector<16xf32>
      %add3A_523 = arith.addf %get3A_522, %select_n3A_254 : vector<16xf32>
      %swap3A_524 = arith.constant 160 : index
      %swap3A_525 = tpu.vector_load %arg5[%swap3A_524] {strides = array<i32>} : memref<304xf32, #tpu.memory_space<vmem>>, vector<16xf32>,
      %swap3A_526 = vector.shape_cast %swap3A_525 : vector<16xf32> to vector<16xf32>
      %swap3A_527 = vector.shape_cast %add3A_523 : vector<16xf32> to vector<16xf32>
      tpu.vector_store %arg5[%swap3A_524], %swap3A_527 {strides = array<i32>} : memref<304xf32, #tpu.memory_space<vmem>>, vector<16xf32>,
      %get3A_528 = arith.constant 176 : index
      %get3A_529 = tpu.vector_load %arg4[%get3A_528] {strides = array<i32>} : memref<304xf32, #tpu.memory_space<vmem>>, vector<16xf32>,
      %get3A_530 = vector.shape_cast %get3A_529 : vector<16xf32> to vector<16xf32>
      %add3A_531 = arith.addf %get3A_530, %select_n3A_277 : vector<16xf32>
      %swap3A_532 = arith.constant 176 : index
      %swap3A_533 = tpu.vector_load %arg5[%swap3A_532] {strides = array<i32>} : memref<304xf32, #tpu.memory_space<vmem>>, vector<16xf32>,
      %swap3A_534 = vector.shape_cast %swap3A_533 : vector<16xf32> to vector<16xf32>
      %swap3A_535 = vector.shape_cast %add3A_531 : vector<16xf32> to vector<16xf32>
      tpu.vector_store %arg5[%swap3A_532], %swap3A_535 {strides = array<i32>} : memref<304xf32, #tpu.memory_space<vmem>>, vector<16xf32>,
      %get3A_536 = arith.constant 192 : index
      %get3A_537 = tpu.vector_load %arg4[%get3A_536] {strides = array<i32>} : memref<304xf32, #tpu.memory_space<vmem>>, vector<16xf32>,
      %get3A_538 = vector.shape_cast %get3A_537 : vector<16xf32> to vector<16xf32>
      %add3A_539 = arith.addf %get3A_538, %select_n3A_300 : vector<16xf32>
      %swap3A_540 = arith.constant 192 : index
      %swap3A_541 = tpu.vector_load %arg5[%swap3A_540] {strides = array<i32>} : memref<304xf32, #tpu.memory_space<vmem>>, vector<16xf32>,
      %swap3A_542 = vector.shape_cast %swap3A_541 : vector<16xf32> to vector<16xf32>
      %swap3A_543 = vector.shape_cast %add3A_539 : vector<16xf32> to vector<16xf32>
      tpu.vector_store %arg5[%swap3A_540], %swap3A_543 {strides = array<i32>} : memref<304xf32, #tpu.memory_space<vmem>>, vector<16xf32>,
      %get3A_544 = arith.constant 208 : index
      %get3A_545 = tpu.vector_load %arg4[%get3A_544] {strides = array<i32>} : memref<304xf32, #tpu.memory_space<vmem>>, vector<16xf32>,
      %get3A_546 = vector.shape_cast %get3A_545 : vector<16xf32> to vector<16xf32>
      %add3A_547 = arith.addf %get3A_546, %select_n3A_323 : vector<16xf32>
      %swap3A_548 = arith.constant 208 : index
      %swap3A_549 = tpu.vector_load %arg5[%swap3A_548] {strides = array<i32>} : memref<304xf32, #tpu.memory_space<vmem>>, vector<16xf32>,
      %swap3A_550 = vector.shape_cast %swap3A_549 : vector<16xf32> to vector<16xf32>
      %swap3A_551 = vector.shape_cast %add3A_547 : vector<16xf32> to vector<16xf32>
      tpu.vector_store %arg5[%swap3A_548], %swap3A_551 {strides = array<i32>} : memref<304xf32, #tpu.memory_space<vmem>>, vector<16xf32>,
      %get3A_552 = arith.constant 224 : index
      %get3A_553 = tpu.vector_load %arg4[%get3A_552] {strides = array<i32>} : memref<304xf32, #tpu.memory_space<vmem>>, vector<16xf32>,
      %get3A_554 = vector.shape_cast %get3A_553 : vector<16xf32> to vector<16xf32>
      %add3A_555 = arith.addf %get3A_554, %select_n3A_346 : vector<16xf32>
      %swap3A_556 = arith.constant 224 : index
      %swap3A_557 = tpu.vector_load %arg5[%swap3A_556] {strides = array<i32>} : memref<304xf32, #tpu.memory_space<vmem>>, vector<16xf32>,
      %swap3A_558 = vector.shape_cast %swap3A_557 : vector<16xf32> to vector<16xf32>
      %swap3A_559 = vector.shape_cast %add3A_555 : vector<16xf32> to vector<16xf32>
      tpu.vector_store %arg5[%swap3A_556], %swap3A_559 {strides = array<i32>} : memref<304xf32, #tpu.memory_space<vmem>>, vector<16xf32>,
      %get3A_560 = arith.constant 240 : index
      %get3A_561 = tpu.vector_load %arg4[%get3A_560] {strides = array<i32>} : memref<304xf32, #tpu.memory_space<vmem>>, vector<16xf32>,
      %get3A_562 = vector.shape_cast %get3A_561 : vector<16xf32> to vector<16xf32>
      %add3A_563 = arith.addf %get3A_562, %select_n3A_369 : vector<16xf32>
      %swap3A_564 = arith.constant 240 : index
      %swap3A_565 = tpu.vector_load %arg5[%swap3A_564] {strides = array<i32>} : memref<304xf32, #tpu.memory_space<vmem>>, vector<16xf32>,
      %swap3A_566 = vector.shape_cast %swap3A_565 : vector<16xf32> to vector<16xf32>
      %swap3A_567 = vector.shape_cast %add3A_563 : vector<16xf32> to vector<16xf32>
      tpu.vector_store %arg5[%swap3A_564], %swap3A_567 {strides = array<i32>} : memref<304xf32, #tpu.memory_space<vmem>>, vector<16xf32>,
      %get3A_568 = arith.constant 256 : index
      %get3A_569 = tpu.vector_load %arg4[%get3A_568] {strides = array<i32>} : memref<304xf32, #tpu.memory_space<vmem>>, vector<16xf32>,
      %get3A_570 = vector.shape_cast %get3A_569 : vector<16xf32> to vector<16xf32>
      %add3A_571 = arith.addf %get3A_570, %select_n3A_392 : vector<16xf32>
      %swap3A_572 = arith.constant 256 : index
      %swap3A_573 = tpu.vector_load %arg5[%swap3A_572] {strides = array<i32>} : memref<304xf32, #tpu.memory_space<vmem>>, vector<16xf32>,
      %swap3A_574 = vector.shape_cast %swap3A_573 : vector<16xf32> to vector<16xf32>
      %swap3A_575 = vector.shape_cast %add3A_571 : vector<16xf32> to vector<16xf32>
      tpu.vector_store %arg5[%swap3A_572], %swap3A_575 {strides = array<i32>} : memref<304xf32, #tpu.memory_space<vmem>>, vector<16xf32>,
      %get3A_576 = arith.constant 272 : index
      %get3A_577 = tpu.vector_load %arg4[%get3A_576] {strides = array<i32>} : memref<304xf32, #tpu.memory_space<vmem>>, vector<16xf32>,
      %get3A_578 = vector.shape_cast %get3A_577 : vector<16xf32> to vector<16xf32>
      %add3A_579 = arith.addf %get3A_578, %select_n3A_415 : vector<16xf32>
      %swap3A_580 = arith.constant 272 : index
      %swap3A_581 = tpu.vector_load %arg5[%swap3A_580] {strides = array<i32>} : memref<304xf32, #tpu.memory_space<vmem>>, vector<16xf32>,
      %swap3A_582 = vector.shape_cast %swap3A_581 : vector<16xf32> to vector<16xf32>
      %swap3A_583 = vector.shape_cast %add3A_579 : vector<16xf32> to vector<16xf32>
      tpu.vector_store %arg5[%swap3A_580], %swap3A_583 {strides = array<i32>} : memref<304xf32, #tpu.memory_space<vmem>>, vector<16xf32>,
      %get3A_584 = arith.constant 288 : index
      %get3A_585 = tpu.vector_load %arg4[%get3A_584] {strides = array<i32>} : memref<304xf32, #tpu.memory_space<vmem>>, vector<16xf32>,
      %get3A_586 = vector.shape_cast %get3A_585 : vector<16xf32> to vector<16xf32>
      %add3A_587 = arith.addf %get3A_586, %select_n3A_438 : vector<16xf32>
      %swap3A_588 = arith.constant 288 : index
      %swap3A_589 = tpu.vector_load %arg5[%swap3A_588] {strides = array<i32>} : memref<304xf32, #tpu.memory_space<vmem>>, vector<16xf32>,
      %swap3A_590 = vector.shape_cast %swap3A_589 : vector<16xf32> to vector<16xf32>
      %swap3A_591 = vector.shape_cast %add3A_587 : vector<16xf32> to vector<16xf32>
      tpu.vector_store %arg5[%swap3A_588], %swap3A_591 {strides = array<i32>} : memref<304xf32, #tpu.memory_space<vmem>>, vector<16xf32>,
      "tpu.region"() ({
        %run_scoped3A = tpu.sem_alloc : memref<!tpu.dma_semaphore, #tpu.memory_space<semaphore_mem>>
        %dma_start3A_592 = arith.constant 0 : i32
        %dma_start3A_593 = tpu.memref_slice %arg5[%dma_start3A_592] : memref<304xf32, #tpu.memory_space<vmem>> -> memref<300xf32, #tpu.memory_space<vmem>>
        %dma_start3A_594 = arith.constant 0 : i32
        %dma_start3A_595 = tpu.memref_slice %arg5[%dma_start3A_594] : memref<304xf32, #tpu.memory_space<vmem>> -> memref<300xf32, #tpu.memory_space<vmem>>
        tpu.enqueue_dma source(%dma_start3A_595 : memref<300xf32, #tpu.memory_space<vmem>>) target(%arg3 : memref<300xf32, #tpu.memory_space<hbm>>) target_semaphore(%run_scoped3A : memref<!tpu.dma_semaphore, #tpu.memory_space<semaphore_mem>>)
        %dma_wait3A_596 = arith.constant 0 : i32
        %dma_wait3A_597 = tpu.memref_slice %arg5[%dma_wait3A_596] : memref<304xf32, #tpu.memory_space<vmem>> -> memref<300xf32, #tpu.memory_space<vmem>>
        %dma_wait3A_598 = arith.constant 0 : i32
        %dma_wait3A_599 = tpu.memref_slice %arg5[%dma_wait3A_598] : memref<304xf32, #tpu.memory_space<vmem>> -> memref<300xf32, #tpu.memory_space<vmem>>
        tpu.wait_dma2 semaphore(%run_scoped3A : memref<!tpu.dma_semaphore, #tpu.memory_space<semaphore_mem>>) src(%dma_wait3A_599 : memref<300xf32, #tpu.memory_space<vmem>>) dst(%arg3 : memref<300xf32, #tpu.memory_space<hbm>>)
        tpu.yield
      }) : () -> ()
    } else {
    }
    return
  }
}

</mosaic_0001>

<sc_bundles>
// kernel: kernel.3.cloned.1.call-start
scs
__scs_entry_jumppad:
0x0: {  	(pc) =	sbr.rel $0x88, $3  }
0x1: {  	(tag) =	ssettag $0x0;
	lr =	simm.s32 $0x1  }
0x2: {  	[smem:$0x3FA0] =	sst lr;
	_ =	strace $0xD0000000  }
0x3: {  	_ = 	snop  }
0x4: {  	_ = 	snop  }
0x5: {  	_ = 	snop  }
0x6: {  	_ = 	snop  }
0x7: {  	_ = 	snop  }
__scs_overlays_trampoline_lowered:
0x8: {  	[smem:$0x3FAF] =	sst s0  }
0x9: {  	[smem:$0x3FB0] =	sst s1  }
0xa: {  	[smem:$0x3FB1] =	sst s2  }
0xb: {  	[smem:$0x3FB2] =	sst s3  }
0xc: {  	[smem:$0x3FB3] =	sst s4  }
0xd: {  	[smem:$0x3FB4] =	sst s5  }
0xe: {  	[smem:$0x3FB5] =	sst s6  }
0xf: {  	[smem:$0x3FB6] =	sst s7  }
0x10: {  	[smem:$0x3FB7] =	sst s8  }
0x11: {  	[smem:$0x3FB8] =	sst s9;
	s0 =	simm.s32 @!p0 $0x0  }
0x12: {  	s1 =	sld [smem:$0x3F9E];
	s0 =	simm.s32 @p0 $0x1  }
0x13: {  	[smem:$0x3FB9] =	sst s0;
	s0 =	simm.s32 @!p1 $0x0  }
0x14: {  	s2 =	sld [smem:$0x3F9D];
	s0 =	simm.s32 @p1 $0x1  }
0x15: {  	[smem:$0x3FBA] =	sst s0;
	s0 =	simm.s32 @!p2 $0x0  }
0x16: {  	s3 =	sld [smem:$0x3FDB];
	s0 =	simm.s32 @p2 $0x1  }
0x17: {  	s4 =	simm.s32 $0x1BF5;
	[smem:$0x3FBC] =	sst s0  }
0x18: {  	s0 =	sld [smem:$0x3F9F];
	_ =	swait.ge [sflag:s4], $0x0  }
0x19: {  	s7 =	sld [smem:$0x3FA0]  }
0x1a: {  	s8 =	sadd.s32 $0xFFFFE003, lr  }
0x1b: {  	s9 =	sadd.s32 $0xFFFFFEF7, lr;
	s5 =	simm.s32 $0xFFFFFFFF;
	p2 =	slt.u32 s8, $0xFFFFF086  }
0x1c: {  	p1 =	slt.u32 s9, $0xF7A;
	s5 =	simm.s32 @!p2 $0x0  }
0x1d: {  	s5 =	simm.s32 @p1 $0x1;
	p0 =	seq.s32 s7, s2  }
0x1e: {  	s7 =	smul.u32 @!p0 $0xF7A, s2;
	p2 =	seq.s32 @!p0 s5, $0x0  }
0x1f: {  	s9 =	smul.u32 $0xF7A, s1;
	s8 =	simm.s32 @!p0 $0x1BF5;
	p2 =	por !p2, p0  }
0x20: {  	[sflag:s8] =	ssyncset.s32 @!p0 $0xFFFFF086;
	s6 =	sadd.s32 @!p0 s3, s7;
	s7 =	simm.s32 @!p0 $0x108  }
0x21: {  	s3 =	sadd.s32 s3, s9;
	s6 =	sadd.s32 @!p0 $0x88, s6;
	s7 =	simm.s32 @p2 $0x1082  }
0x22: {  	[simem:s7], [sflag:s8] =	dma.local @!p0 [hbm:s6], $0xF7A  }
0x23: {  	s9 =	sor.u32 $0xD0000000, s2;
	s6 =	simm.s32 $0x108;
	_ =	swait.ge @!p0 [sflag:s8], $0x0  }
0x24: {  	s3 =	sadd.s32 $0x88, s3;
	s6 =	simm.s32 @!p1 $0x1082;
	[sflag:s4] =	ssyncset.s32 $0xFFFFF086  }
0x25: {  	[simem:s6], [sflag:s4] =	dma.local [hbm:s3], $0xF7A  }
0x26: {  	[smem:$0x3FA0] =	sst s1;
	(tag) =	ssettag s2;
	_ =	strace s9  }
0x27: {  	s1 =	sld [smem:$0x3FB0]  }
0x28: {  	s2 =	sld [smem:$0x3FB1]  }
0x29: {  	s4 =	sld [smem:$0x3FB3]  }
0x2a: {  	p0 =	seq.s32 s5, $0x0;
	s5 =	sld [smem:$0x3FB4]  }
0x2b: {  	s6 =	sld [smem:$0x3FB5]  }
0x2c: {  	s7 =	sld [smem:$0x3FB6]  }
0x2d: {  	s3 =	simm.s32 $0x108;
	s8 =	sld [smem:$0x3FB7]  }
0x2e: {  	s3 =	simm.s32 @!p0 $0x1082;
	s9 =	sld [smem:$0x3FB8]  }
0x2f: {  	lr =	sadd.s32 s0, s3;
	s0 =	sld [smem:$0x3FAF]  }
0x30: {  	s3 =	sld [smem:$0x3FB2]  }
0x31: {  	[smem:$0x3FBB] =	sst s10  }
0x32: {  	s10 =	sld [smem:$0x3FB9];
	_ =	sdelay $0x3  }
0x33: {  	p0 =	seq.s32 s10, $0x1;
	s10 =	sld [smem:$0x3FBB];
	_ =	sdelay $0x3  }
0x34: {  	[smem:$0x3FBB] =	sst s10  }
0x35: {  	s10 =	sld [smem:$0x3FBA];
	_ =	sdelay $0x3  }
0x36: {  	p1 =	seq.s32 s10, $0x1;
	s10 =	sld [smem:$0x3FBB];
	_ =	sdelay $0x3  }
0x37: {  	[smem:$0x3FBB] =	sst s10  }
0x38: {  	s10 =	sld [smem:$0x3FBC]  }
0x39: {  	_ = 	snop;
	(pc) =	sbr.ind lr, $3  }
0x3a: {  	_ = 	snop  }
0x3b: {  	_ = 	snop  }
0x3c: {  	p2 =	seq.s32 s10, $0x1;
	s10 =	sld [smem:$0x3FBB]  }
0x3d: {  	_ =	shalt  }
0x3e: {  	_ =	shalt  }
0x3f: {  	_ =	shalt  }
0x40: {  	_ =	shalt  }
0x41: {  	_ =	shalt  }
0x42: {  	_ =	shalt  }
0x43: {  	_ =	shalt  }
0x44: {  	_ =	shalt  }
0x45: {  	_ =	shalt  }
0x46: {  	_ =	shalt  }
0x47: {  	_ =	shalt  }
0x48: {  	_ =	shalt  }
0x49: {  	_ =	shalt  }
0x4a: {  	_ =	shalt  }
0x4b: {  	_ =	shalt  }
0x4c: {  	_ =	shalt  }
0x4d: {  	_ =	shalt  }
0x4e: {  	_ =	shalt  }
0x4f: {  	_ =	shalt  }
0x50: {  	_ =	shalt  }
0x51: {  	_ =	shalt  }
0x52: {  	_ =	shalt  }
0x53: {  	_ =	shalt  }
0x54: {  	_ =	shalt  }
0x55: {  	_ =	shalt  }
0x56: {  	_ =	shalt  }
0x57: {  	_ =	shalt  }
0x58: {  	_ =	shalt  }
0x59: {  	_ =	shalt  }
0x5a: {  	_ =	shalt  }
0x5b: {  	_ =	shalt  }
0x5c: {  	_ =	shalt  }
0x5d: {  	_ =	shalt  }
0x5e: {  	_ =	shalt  }
0x5f: {  	_ =	shalt  }
0x60: {  	_ =	shalt  }
0x61: {  	_ =	shalt  }
0x62: {  	_ =	shalt  }
0x63: {  	_ =	shalt  }
0x64: {  	_ =	shalt  }
0x65: {  	_ =	shalt  }
0x66: {  	_ =	shalt  }
0x67: {  	_ =	shalt  }
0x68: {  	_ =	shalt  }
0x69: {  	_ =	shalt  }
0x6a: {  	_ =	shalt  }
0x6b: {  	_ =	shalt  }
0x6c: {  	_ =	shalt  }
0x6d: {  	_ =	shalt  }
0x6e: {  	_ =	shalt  }
0x6f: {  	_ =	shalt  }
0x70: {  	_ =	shalt  }
0x71: {  	_ =	shalt  }
0x72: {  	_ =	shalt  }
0x73: {  	_ =	shalt  }
0x74: {  	_ =	shalt  }
0x75: {  	_ =	shalt  }
0x76: {  	_ =	shalt  }
0x77: {  	_ =	shalt  }
0x78: {  	_ =	shalt  }
0x79: {  	_ =	shalt  }
0x7a: {  	_ =	shalt  }
0x7b: {  	_ =	shalt  }
0x7c: {  	_ =	shalt  }
0x7d: {  	_ =	shalt  }
0x7e: {  	_ =	shalt  }
0x7f: {  	_ =	shalt  }
0x80: {  	_ =	shalt  }
0x81: {  	_ =	shalt  }
0x82: {  	_ =	shalt  }
0x83: {  	_ =	shalt  }
0x84: {  	_ =	shalt  }
0x85: {  	_ =	shalt  }
0x86: {  	_ =	shalt  }
0x87: {  	_ =	shalt  }
.Lfunc_end0:
.L_simem_size_0:
called_computation_lowered:
.L_overlay_start_0:
0x88: {  	s0 =	sld [smem:$0x3FD9]  }
0x89: {  	s1 =	sld [smem:$0x3FFE];
	_ =	sdelay $0x3  }
0x8a: {  	s0 =	sadd.s32 s1, s0  }
0x8b: {  	[smem:$0x3FC7] =	sst s0  }
0x8c: {  	_ = 	snop  }
0x8d: {  	s0 =	sld [smem:$0x3FD0];
	(tm) =	ssettm $0x1  }
0x8e: {  	s16 =	sld [smem:$0x3FFB];
	_ =	sdelay $0x3  }
0x8f: {  	_ =	strace s16  }
0x90: {  	s1 =	sld [smem:$0x3FFC];
	_ =	sdelay $0x3  }
0x91: {  	_ =	strace s1  }
0x92: {  	s1 =	sld [smem:$0x3FFD];
	_ =	sdelay $0x3  }
0x93: {  	_ =	strace s1  }
0x94: {  	_ =	strace $0x8FFFFFFF  }
0x95: {  	s17 =	sld [smem:$0x3FDB];
	_ =	sdelay $0x1  }
0x96: {  	s2 =	simm.s32 $_scs_section_size  }
0x97: {  	s3 =	simm.s32 $_size__tile_overlayer_lowered;
	s4 =	simm.s32 $_tile_overlayer_lowered  }
0x98: {  	s20 =	simm.s32 $0x1BFF;
	s19 =	sshll.u32 s4, $0x1;
	s1 =	sadd.s32 s2, s17  }
0x99: {  	s5 =	simm.s32 $0x0;
	s18 =	sshll.u32 s3, $0x1;
	s3 =	sadd.s32 s19, s1  }
0x9a: {  	[timem:s5], [sflag:s20] =	dma.local [hbm:s3], s18  }
0x9b: {  	_ =	swait.ge [sflag:s20], s18  }
0x9c: {  	s2 =	ssub.s32 $0x0, s18;
	[sflag:s20] =	ssyncset.done $0x0  }
0x9d: {  	[sflag:s20] =	ssyncadd.s32 s2;
	_ =	sdelay $0x1  }
0x9e: {  	s21 =	simm.s32 $0x1B8B  }
0x9f: {  	_ =	swait.ge [sflag:s21], $0x1  }
0xa0: {  	[sflag:s21] =	ssyncset.done $0x0  }
0xa1: {  	s23 =	simm.s32 $0x1B8E;
	s22 =	sld [smem:$0x3FFE];
	[sflag:s21] =	ssyncadd.s32 $0xFFFFFFFF  }
0xa2: {  	s24 =	simm.s32 $execute0_lowered;
	[smem:$0x3FD2] =	sst s23  }
0xa3: {  	s3 =	sshll.u32 s24, $0x1;
	_ =	strace $0x80000046;
	[dreg:$0x1] =	wrdreg $0xFFFFFFFF  }
0xa4: {  	s25 =	simm.s32 $_size_execute0_lowered;
	s1 =	sadd.s32 s1, s3;
	[dreg:$0x0] =	wrdreg $0x0  }
0xa5: {  	s3 =	sshll.u32 s25, $0x1;
	[dreg:$0x2] =	wrdreg s1  }
0xa6: {  	[dreg:$0x3] =	wrdreg s3  }
0xa7: {  	[dreg:$0x4] =	wrdreg $0xC0  }
0xa8: {  	_ =	task [dreg:s5], $0x5FFFF  }
0xa9: {  	[dreg:$0x1] =	wrdreg $0xFFFFFFFF  }
0xaa: {  	[dreg:$0x0] =	wrdreg $0x60  }
0xab: {  	[dreg:$0x2] =	wrdreg s0  }
0xac: {  	[dreg:$0x3] =	wrdreg s22  }
0xad: {  	[dreg:$0x4] =	wrdreg $0x9  }
0xae: {  	_ =	task.clear_ibuf [dreg:s5], $0x5FFFF;
	_ =	strace $0x90000046  }
0xaf: {  	s26 =	simm.s32 $0x9;
	_ =	strace $0x80000048  }
0xb0: {  	_ =	swait.ge [sflag:s26], $0x1  }
0xb1: {  	[sflag:s26] =	ssyncadd.s32 $0xFFFFFFFF  }
0xb2: {  	_ =	strace $0x90000048  }
0xb3: {  	_ =	sfence  }
0xb4: {  	s28 =	sld [smem:$0x0];
	_ =	sdelay $0x1  }
0xb5: {  	s29 =	srdreg.scid  }
0xb6: {  	s30 =	sshll.u32 s29, $0xD;
	s31 =	sshrl.u32 s29, $0x2  }
0xb7: {  	s2 =	sand.u32 $0x4000, s30;
	s1 =	sand.u32 $0x1, s29;
	s0 =	sadd.s32 s31, s28  }
0xb8: {  	s1 =	sor.u32 s2, s1;
	s0 =	sshll.u32 s0, $0x11  }
0xb9: {  	s0 =	sor.u32 s0, s1  }
0xba: {  	s0 =	sadd.s32 $0x8F2B, s0  }
0xbb: {  	[sflag:s0] =	ssyncadd.remote.s32 $0x1  }
0xbc: {  	_ =	sfence.sel $0xFFFF  }
0xbd: {  	[dreg:$0x0] =	wrdreg $0xFFFFFFFF;
	(pc) =	sbr.abs _section_cstart, $3  }
0xbe: {  	[dreg:$0x1] =	wrdreg $0xFFFFFFFF  }
0xbf: {  	_ =	task.clear_ibuf [dreg:s5], $0x2FFFF;
	_ =	strace $0x9FFFFFFF  }
0xc0: {  	(tm) =	ssettm $0x7FFFFFFF  }
0xc1: {  	_ =	shalt  }
tec
execute0_lowered:
.L_overlay_start_1:
0x0: {  	(tag) =	ssettag $0x1  }
0x1: {  	s2 =	stileid.u32  }
0x2: {  	p0 =	sne.s32 s2, $0x0  }
.Ltmp0:
0x3: {  	_ = 	snop;
	(pc) =	sbr.rel @p0 .LBB2_2-.Ltmp0, $4  }
0x4: {  	_ = 	snop  }
0x5: {  	s3 =	rddreg [dreg:$0x0]  }
0x6: {  	s1 =	rddreg [dreg:$0x1]  }
0x7: {  	s0 =	rddreg [dreg:$0x2];
	_ =	strace $0x80000047  }
0x8: {  	v0 =	vimm.f32 $3.100000000e+01;
	vm14 =	vcmask $0x300;
	vm13 =	vcmask $0x704  }
0x9: {  	vm12 =	vcmask $0xB08;
	vm11 =	vcmask $0xF0C;
	vm10 =	vcmask $0x1310  }
0xa: {  	vm9 =	vcmask $0x1714;
	vm8 =	vcmask $0x1B18;
	vm7 =	vcmask $0x1F1C  }
0xb: {  	vm6 =	vcmask $0x2320;
	vm4 =	vcmask $0x2724;
	vm3 =	vcmask $0x2B28  }
0xc: {  	vm1 =	vcmask $0x2F2C;
	vm0 =	vcmask $0x3330;
	v31 =	vimm.f32 $0.0e+00  }
0xd: {  	v3 =	vimm.f32 $4.700000000e+01;
	vm2 =	vcmask $0x3734;
	vm5 =	vcmask $0x3B38  }
0xe: {  	v33 =	vimm.f32 $6.300000000e+01;
	v34 =	vimm.f32 $7.900000000e+01;
	v7 =	vimm.f32 $1.910000000e+02  }
0xf: {  	v10 =	vimm.f32 $1.270000000e+02;
	v40 =	vimm.f32 $1.430000000e+02;
	v43 =	vimm.f32 $1.590000000e+02  }
0x10: {  	v13 =	vimm.f32 $3.510000000e+02;
	v46 =	vimm.f32 $2.070000000e+02;
	v50 =	vimm.f32 $2.230000000e+02  }
0x11: {  	v51 =	vimm.f32 $2.390000000e+02;
	v52 =	vimm.f32 $5.110000000e+02;
	v53 =	vimm.f32 $2.870000000e+02  }
0x12: {  	v56 =	vimm.f32 $3.030000000e+02;
	v0 =	vsel vm14, $0x3F800000, v0;
	v4 =	vsel vm13, $0x41880000, v31  }
0x13: {  	v3 =	vsel vm14, $0x42000000, v3;
	v7 =	vsel vm14, $0x43210000, v7;
	v37 =	vsel vm13, $0x42C20000, v31  }
0x14: {  	v10 =	vsel vm14, $0x42E00000, v10;
	v42 =	vsel vm14, $0x43000000, v40;
	v13 =	vsel vm14, $0x43A08000, v13  }
0x15: {  	v48 =	vsel vm14, $0x43400000, v46;
	v49 =	vsel vm13, $0x43310000, v31;
	v55 =	vsel vm14, $0x43880000, v53  }
0x16: {  	v57 =	vsel vm14, $0x43900000, v56;
	v0 =	vsel vm13, $0x0, v0;
	v4 =	vsel vm12, $0x41900000, v4  }
0x17: {  	v3 =	vsel vm13, $0x42040000, v3;
	v7 =	vsel vm13, $0x0, v7;
	v39 =	vsel vm13, $0x42E20000, v10  }
0x18: {  	v10 =	vsel vm14, $0x43100000, v43;
	v45 =	vsel vm13, $0x0, v13;
	v13 =	vsel vm12, $0x43320000, v49  }
0x19: {  	v0 =	vsel vm12, $0x40000000, v0;
	v4 =	vsel vm11, $0x41980000, v4;
	v3 =	vsel vm12, $0x42080000, v3  }
0x1a: {  	v7 =	vsel vm12, $0x42A40000, v7;
	v10 =	vsel vm13, $0x43918000, v10;
	v13 =	vsel vm11, $0x43330000, v13  }
0x1b: {  	v0 =	vsel vm11, $0x40400000, v0;
	v4 =	vsel vm10, $0x42240000, v4;
	v3 =	vsel vm11, $0x428E0000, v3  }
0x1c: {  	v7 =	vsel vm11, $0x42A60000, v7;
	v10 =	vsel vm12, $0x0, v10;
	v13 =	vsel vm10, $0x43B48000, v13  }
0x1d: {  	v0 =	vsel vm10, $0x40800000, v0;
	v32 =	vsel vm8, $0x41B00000, v4;
	v3 =	vsel vm10, $0x0, v3  }
0x1e: {  	v4 =	vsel vm14, $0x42400000, v33;
	v36 =	vsel vm10, $0x42A80000, v7;
	v7 =	vsel vm12, $0x42C40000, v37  }
0x1f: {  	v10 =	vsel vm11, $0x43130000, v10;
	v13 =	vsel vm8, $0x43360000, v13;
	v0 =	vsel vm9, $0x41300000, v0  }
0x20: {  	v3 =	vsel vm9, $0x42140000, v3;
	v4 =	vsel vm13, $0x42440000, v4;
	v7 =	vsel vm11, $0x42C60000, v7  }
0x21: {  	v10 =	vsel vm10, $0x43140000, v10;
	v13 =	vsel vm7, $0x43370000, v13;
	v0 =	vsel vm8, $0x0, v0  }
0x22: {  	v3 =	vsel vm8, $0x42180000, v3;
	v4 =	vsel vm12, $0x42CA0000, v4;
	v7 =	vsel vm10, $0x43490000, v7  }
0x23: {  	v10 =	vsel vm9, $0x43150000, v10;
	v13 =	vsel vm6, $0x43380000, v13;
	v0 =	vsel vm7, $0x40E00000, v0  }
0x24: {  	v3 =	vsel vm7, $0x421C0000, v3;
	v4 =	vsel vm11, $0x0, v4;
	v7 =	vsel vm8, $0x42CC0000, v7  }
0x25: {  	s2 =	simm.s32 $0x0;
	s29 =	simm.s32 $0x1;
	v10 =	vsel vm8, $0x43968000, v10;
	v13 =	vsel vm4, $0x43B98000, v13;
	v0 =	vsel vm6, $0x41000000, v0  }
0x26: {  	[tilespmem:s2], [sflag:$0x1] =	stream.linear.gather [hbm4b:s3+s2], $0x12C, $0x38;
	v3 =	vsel vm6, $0x42A20000, v3;
	v4 =	vsel vm10, $0x42500000, v4;
	v7 =	vsel vm7, $0x42CE0000, v7;
	[tilespmem:$0x300] =	vst v63  }
0x27: {  	_ =	swait.ge [sflag:s29], $0x12C;
	v10 =	vsel vm7, $0x0, v10;
	v13 =	vsel vm1, $0x433B0000, v13;
	v0 =	vsel vm4, $0x41100000, v0  }
0x28: {  	[sflag:s29] =	ssyncset.done $0x0;
	v3 =	vsel vm4, $0x0, v3;
	v4 =	vsel vm9, $0x42540000, v4;
	v7 =	vsel vm6, $0x42D00000, v7  }
0x29: {  	[sflag:s29] =	ssyncadd.s32 $0xFFFFFED4;
	v10 =	vsel vm6, $0x43180000, v10;
	v13 =	vsel vm0, $0x433C0000, v13;
	v0 =	vsel vm3, $0x41A80000, v0  }
0x2a: {  	v15 =	vld [tilespmem:$0xB0];
	v3 =	vsel vm3, $0x42280000, v3;
	v4 =	vsel vm8, $0x42580000, v4;
	v7 =	vsel vm4, $0x43530000, v7  }
0x2b: {  	v10 =	vsel vm4, $0x43190000, v10;
	v13 =	vsel vm2, $0x433D0000, v13;
	v0 =	vsel vm1, $0x0, v0  }
0x2c: {  	v6 =	vld [tilespmem:$0x20];
	v3 =	vsel vm1, $0x422C0000, v3;
	v4 =	vsel vm7, $0x42DE0000, v4;
	v7 =	vsel vm1, $0x42D60000, v7  }
0x2d: {  	v10 =	vsel vm3, $0x431A0000, v10;
	v13 =	vsel vm5, $0x43BE8000, v13;
	v2 =	vsel vm0, $0x41400000, v0  }
0x2e: {  	v3 =	vsel vm0, $0x42300000, v3;
	v4 =	vsel vm6, $0x0, v4;
	v7 =	vsel vm0, $0x42D80000, v7  }
0x2f: {  	v10 =	vsel vm1, $0x439B8000, v10;
	v13 =	vadd.f32 v13, v15;
	v3 =	vsel vm2, $0x42B60000, v3  }
0x30: {  	v15 =	vsel vm14, $0x43600000, v51;
	v0 =	vsel vm13, $0x43808000, v31;
	v3 =	vsel vm5, $0x0, v3  }
0x31: {  	v2 =	vsel vm2, $0x41500000, v2;
	v3 =	vadd.f32 v3, v6;
	v6 =	vsel vm9, $0x432B0000, v36  }
0x32: {  	v1 =	vld [tilespmem:$0x0];
	v4 =	vsel vm4, $0x42640000, v4;
	v7 =	vsel vm2, $0x42DA0000, v7;
	v6 =	vsel vm8, $0x0, v6  }
0x33: {  	v10 =	vsel vm0, $0x0, v10;
	v15 =	vsel vm13, $0x43E18000, v15;
	v6 =	vsel vm7, $0x42AE0000, v6  }
0x34: {  	v38 =	vld [tilespmem:$0x60];
	v0 =	vsel vm12, $0x43810000, v0;
	v2 =	vsel vm5, $0x41600000, v2;
	v6 =	vsel vm6, $0x42B00000, v6  }
0x35: {  	v4 =	vsel vm3, $0x42680000, v4;
	v7 =	vsel vm5, $0x435D0000, v7;
	v6 =	vsel vm4, $0x42B20000, v6  }
0x36: {  	v9 =	vld [tilespmem:$0x50];
	v10 =	vsel vm2, $0x431D0000, v10;
	v15 =	vsel vm12, $0x0, v15;
	v6 =	vsel vm3, $0x43350000, v6  }
0x37: {  	v0 =	vsel vm11, $0x43818000, v0;
	v1 =	vadd.f32 v2, v1;
	v6 =	vsel vm1, $0x0, v6  }
0x38: {  	v2 =	vsel vm7, $0x41B80000, v32;
	v4 =	vsel vm1, $0x426C0000, v4;
	v6 =	vsel vm0, $0x42B80000, v6  }
0x39: {  	v7 =	vadd.f32 v7, v38;
	v10 =	vsel vm5, $0x431E0000, v10;
	v6 =	vsel vm2, $0x42BA0000, v6  }
0x3a: {  	v44 =	vld [tilespmem:$0x90];
	v15 =	vsel vm11, $0x43630000, v15;
	v2 =	vsel vm6, $0x41C00000, v2;
	v6 =	vsel vm5, $0x42BC0000, v6  }
0x3b: {  	v5 =	vld [tilespmem:$0x10];
	v2 =	vsel vm4, $0x424C0000, v2;
	v6 =	vadd.f32 v6, v9;
	v9 =	vsel vm12, $0x42E40000, v39  }
0x3c: {  	v2 =	vsel vm1, $0x41D80000, v2;
	v41 =	vsel vm11, $0x43670000, v9;
	v9 =	vsel vm13, $0x43010000, v42  }
0x3d: {  	v0 =	vsel vm10, $0x44024000, v0;
	v2 =	vsel vm0, $0x41E00000, v2;
	v9 =	vsel vm12, $0x43828000, v9  }
0x3e: {  	v4 =	vsel vm0, $0x42F20000, v4;
	v2 =	vsel vm2, $0x41E80000, v2;
	v9 =	vsel vm11, $0x0, v9  }
0x3f: {  	v10 =	vadd.f32 v10, v44;
	v2 =	vsel vm5, $0x42740000, v2;
	v9 =	vsel vm10, $0x43040000, v9  }
0x40: {  	v2 =	vadd.f32 v2, v5;
	v5 =	vsel vm14, $0x42800000, v34;
	v9 =	vsel vm9, $0x43050000, v9  }
0x41: {  	v15 =	vsel vm10, $0x43640000, v15;
	v5 =	vsel vm13, $0x43030000, v5;
	v9 =	vsel vm8, $0x43060000, v9  }
0x42: {  	v0 =	vsel vm8, $0x43830000, v0;
	v5 =	vsel vm12, $0x0, v5;
	v9 =	vsel vm7, $0x43878000, v9  }
0x43: {  	v4 =	vsel vm2, $0x0, v4;
	v5 =	vsel vm11, $0x42860000, v5;
	v9 =	vsel vm6, $0x0, v9  }
0x44: {  	v35 =	vld [tilespmem:$0x30];
	v15 =	vsel vm9, $0x43650000, v15;
	v5 =	vsel vm10, $0x42880000, v5;
	v9 =	vsel vm4, $0x43090000, v9  }
0x45: {  	v12 =	vld [tilespmem:$0x80];
	v0 =	vsel vm7, $0x43838000, v0;
	v5 =	vsel vm9, $0x428A0000, v5;
	v9 =	vsel vm3, $0x430A0000, v9  }
0x46: {  	v4 =	vsel vm5, $0x42780000, v4;
	v5 =	vsel vm8, $0x430D0000, v5;
	v9 =	vsel vm1, $0x430B0000, v9  }
0x47: {  	v15 =	vsel vm8, $0x43E68000, v15;
	v5 =	vsel vm7, $0x0, v5;
	v9 =	vsel vm0, $0x438C8000, v9  }
0x48: {  	v0 =	vsel vm6, $0x43840000, v0;
	v5 =	vsel vm6, $0x42900000, v5;
	v9 =	vsel vm2, $0x0, v9  }
0x49: {  	v4 =	vadd.f32 v4, v35;
	v5 =	vsel vm4, $0x42920000, v5;
	v9 =	vsel vm5, $0x430E0000, v9  }
0x4a: {  	v8 =	vld [tilespmem:$0x40];
	v5 =	vsel vm3, $0x42940000, v5;
	v9 =	vadd.f32 v9, v12;
	v12 =	vsel vm12, $0x43220000, v45  }
0x4b: {  	v5 =	vsel vm1, $0x43170000, v5;
	v47 =	vsel vm11, $0x43230000, v12;
	v12 =	vsel vm13, $0x43410000, v48  }
0x4c: {  	v15 =	vsel vm7, $0x0, v15;
	v5 =	vsel vm0, $0x0, v5;
	v12 =	vsel vm12, $0x43420000, v12  }
0x4d: {  	v0 =	vsel vm4, $0x4404C000, v0;
	v5 =	vsel vm2, $0x429A0000, v5;
	v12 =	vsel vm11, $0x43C38000, v12  }
0x4e: {  	v15 =	vsel vm6, $0x43680000, v15;
	v5 =	vsel vm5, $0x429C0000, v5;
	v12 =	vsel vm10, $0x0, v12  }
0x4f: {  	v5 =	vadd.f32 v5, v8;
	v8 =	vsel vm10, $0x0, v41;
	v12 =	vsel vm9, $0x43450000, v12  }
0x50: {  	v0 =	vsel vm1, $0x43858000, v0;
	v8 =	vsel vm9, $0x42EA0000, v8;
	v12 =	vsel vm8, $0x43460000, v12  }
0x51: {  	v15 =	vsel vm4, $0x43690000, v15;
	v8 =	vsel vm8, $0x42EC0000, v8;
	v12 =	vsel vm7, $0x43470000, v12  }
0x52: {  	v0 =	vsel vm0, $0x43860000, v0;
	v8 =	vsel vm7, $0x42EE0000, v8;
	v12 =	vsel vm6, $0x43C88000, v12  }
0x53: {  	v15 =	vsel vm3, $0x436A0000, v15;
	v8 =	vsel vm6, $0x43710000, v8;
	v12 =	vsel vm4, $0x0, v12  }
0x54: {  	v16 =	vld [tilespmem:$0xC0];
	v0 =	vsel vm2, $0x43868000, v0;
	v8 =	vsel vm4, $0x0, v8;
	v12 =	vsel vm3, $0x434A0000, v12  }
0x55: {  	v11 =	vld [tilespmem:$0x70];
	v15 =	vsel vm1, $0x43EB8000, v15;
	v8 =	vsel vm3, $0x42F40000, v8;
	v12 =	vsel vm1, $0x434B0000, v12  }
0x56: {  	v59 =	vld [tilespmem:$0x100];
	v0 =	vsel vm5, $0x44074000, v0;
	v8 =	vsel vm1, $0x42F60000, v8;
	v12 =	vsel vm0, $0x434C0000, v12  }
0x57: {  	v15 =	vsel vm0, $0x0, v15;
	v8 =	vsel vm0, $0x42F80000, v8;
	v12 =	vsel vm2, $0x43CD8000, v12  }
0x58: {  	[tilespmem:$0x190] =	vst v2;
	v2 =	vsel vm13, $0x43908000, v57;
	v8 =	vsel vm2, $0x437B0000, v8;
	v12 =	vsel vm5, $0x0, v12  }
0x59: {  	v8 =	vsel vm5, $0x0, v8;
	v12 =	vadd.f32 v12, v16;
	v16 =	vsel vm14, $0x43F08000, v52  }
0x5a: {  	v8 =	vadd.f32 v8, v11;
	v11 =	vsel vm10, $0x43240000, v47;
	v16 =	vsel vm13, $0x0, v16  }
0x5b: {  	v18 =	vld [tilespmem:$0xE0];
	v0 =	vadd.f32 v0, v59;
	v11 =	vsel vm9, $0x43A58000, v11;
	v16 =	vsel vm12, $0x43720000, v16  }
0x5c: {  	v15 =	vsel vm2, $0x436D0000, v15;
	v11 =	vsel vm8, $0x0, v11;
	v16 =	vsel vm11, $0x43730000, v16  }
0x5d: {  	v2 =	vsel vm12, $0x44114000, v2;
	v11 =	vsel vm7, $0x43270000, v11;
	v16 =	vsel vm10, $0x43740000, v16  }
0x5e: {  	v15 =	vsel vm5, $0x436E0000, v15;
	v11 =	vsel vm6, $0x43280000, v11;
	v16 =	vsel vm9, $0x43F58000, v16  }
0x5f: {  	v2 =	vsel vm11, $0x0, v2;
	v11 =	vsel vm4, $0x43290000, v11;
	v16 =	vsel vm8, $0x0, v16  }
0x60: {  	v14 =	vld [tilespmem:$0xA0];
	v15 =	vadd.f32 v15, v18;
	v11 =	vsel vm3, $0x43AA8000, v11;
	v16 =	vsel vm7, $0x43770000, v16  }
0x61: {  	v2 =	vsel vm10, $0x43920000, v2;
	v11 =	vsel vm1, $0x0, v11;
	v16 =	vsel vm6, $0x43780000, v16  }
0x62: {  	v2 =	vsel vm9, $0x43928000, v2;
	v11 =	vsel vm0, $0x432C0000, v11;
	v16 =	vsel vm4, $0x43790000, v16  }
0x63: {  	v2 =	vsel vm8, $0x43930000, v2;
	v11 =	vsel vm2, $0x432D0000, v11;
	v16 =	vsel vm3, $0x43FA8000, v16  }
0x64: {  	v2 =	vsel vm7, $0x4413C000, v2;
	v11 =	vsel vm5, $0x432E0000, v11;
	v16 =	vsel vm1, $0x0, v16  }
0x65: {  	v11 =	vadd.f32 v11, v14;
	v14 =	vsel vm14, $0x43500000, v50;
	v16 =	vsel vm0, $0x437C0000, v16  }
0x66: {  	[tilespmem:$0x230] =	vst v13;
	v2 =	vsel vm6, $0x0, v2;
	v14 =	vsel vm13, $0x43510000, v14;
	v16 =	vsel vm2, $0x437D0000, v16  }
0x67: {  	[tilespmem:$0x180] =	vst v1;
	v14 =	vsel vm12, $0x43D28000, v14;
	v54 =	vsel vm5, $0x437E0000, v16;
	v16 =	vsel vm13, $0x43888000, v55  }
0x68: {  	[tilespmem:$0x1A0] =	vst v3;
	v2 =	vsel vm4, $0x43948000, v2;
	v14 =	vsel vm11, $0x0, v14;
	v58 =	vsel vm12, $0x43890000, v16  }
0x69: {  	v61 =	vld [tilespmem:$0x120];
	[tilespmem:$0x1E0] =	vst v7;
	v2 =	vsel vm3, $0x43950000, v2;
	v14 =	vsel vm10, $0x43540000, v14;
	v3 =	vsel vm11, $0x4409C000, v58  }
0x6a: {  	[tilespmem:$0x210] =	vst v10;
	v2 =	vsel vm1, $0x43958000, v2;
	v14 =	vsel vm9, $0x43550000, v14;
	v3 =	vsel vm10, $0x0, v3  }
0x6b: {  	[tilespmem:$0x1B0] =	vst v4;
	v2 =	vsel vm0, $0x44164000, v2;
	v14 =	vsel vm8, $0x43560000, v14;
	v3 =	vsel vm9, $0x438A8000, v3  }
0x6c: {  	[tilespmem:$0x280] =	vst v0;
	v2 =	vsel vm2, $0x0, v2;
	v14 =	vsel vm7, $0x43D78000, v14;
	v3 =	vsel vm8, $0x438B0000, v3  }
0x6d: {  	[tilespmem:$0x1D0] =	vst v6;
	v2 =	vsel vm5, $0x43970000, v2;
	v14 =	vsel vm6, $0x0, v14;
	v3 =	vsel vm7, $0x438B8000, v3  }
0x6e: {  	v19 =	vld [tilespmem:$0xF0];
	[tilespmem:$0x260] =	vst v15;
	v63 =	vadd.f32 v2, v61;
	v14 =	vsel vm4, $0x43590000, v14;
	v3 =	vsel vm6, $0x440C4000, v3  }
0x6f: {  	v17 =	vld [tilespmem:$0xD0];
	[tilespmem:$0x1C0] =	vst v5;
	v14 =	vsel vm3, $0x435A0000, v14;
	v3 =	vsel vm4, $0x0, v3  }
0x70: {  	v60 =	vld [tilespmem:$0x110];
	[tilespmem:$0x2A0] =	vst v63;
	v14 =	vsel vm1, $0x435B0000, v14;
	v3 =	vsel vm3, $0x438D0000, v3  }
0x71: {  	[tilespmem:$0x200] =	vst v9;
	v14 =	vsel vm0, $0x43DC8000, v14;
	v3 =	vsel vm1, $0x438D8000, v3  }
0x72: {  	[tilespmem:$0x1F0] =	vst v8;
	v14 =	vsel vm2, $0x0, v14;
	v3 =	vsel vm0, $0x438E0000, v3  }
0x73: {  	[tilespmem:$0x240] =	vst v12;
	v1 =	vadd.f32 v54, v19;
	v14 =	vsel vm5, $0x435E0000, v14;
	v3 =	vsel vm2, $0x440EC000, v3  }
0x74: {  	[tilespmem:$0x220] =	vst v11;
	v14 =	vadd.f32 v14, v17;
	v3 =	vsel vm5, $0x0, v3  }
0x75: {  	[tilespmem:$0x270] =	vst v1;
	v62 =	vadd.f32 v3, v60  }
0x76: {  	[tilespmem:$0x250] =	vst v14  }
0x77: {  	s1 =	sadd.s32 $0x400, s1;
	s30 =	simm.s32 $0x180;
	s31 =	simm.s32 $0x2;
	[tilespmem:$0x290] =	vst v62  }
0x78: {  	[hbm4b:s1+s2] =	stream.linear.scatter [tilespmem:s30], [sflag:$0x2], $0x12C, $0x38;
	[tilespmem:$0x300] =	vst v63  }
0x79: {  	_ =	swait.ge [sflag:s31], $0x12C  }
0x7a: {  	[sflag:s31] =	ssyncset.done $0x0  }
0x7b: {  	[sflag:s31] =	ssyncadd.s32 $0xFFFFFED4  }
.LBB2_2:
0x7c: {  	_ =	sfence.sel $0x180000  }
0x7d: {  	[bflag:$0x0] =	sbarrier.arrive $0xFFFF  }
0x7e: {  	_ =	strace $0x90000047  }
0x7f: {  	s0 =	sadd.s32 @!p0 $0x100000, s0;
	[bflag:$0x2] =	sbarrier.arrive $0xFFFF  }
0x80: {  	[sflag:s0] =	ssyncadd.tile.s32 @!p0 $0x1;
	_ =	shalt  }
.Lfunc_end2:
_tile_overlayer_lowered:
.L_overlay_start_2:
0x81: {  	(tag) =	ssettag $0x2  }
0x82: {  	s0 =	rddreg [dreg:$0x0];
	s2 =	stileid.u32  }
0x83: {  	s1 =	rddreg [dreg:$0x1];
	p0 =	sne.s32 s2, $0x0  }
0x84: {  	s3 =	rddreg [dreg:$0x2];
	[bflag:$0x3] =	sbarrier.arrive $0xFFFF;
	s2 =	simm.s32 @!p0 $0x1C02  }
0x85: {  	[timem:s3], [sflag:s2] =	dma.local @!p0 [hbm:s0], s1  }
0x86: {  	s0 =	simm.s32 @!p0 $0x2  }
0x87: {  	_ =	swait.ge @!p0 [sflag:s0], s1  }
0x88: {  	s1 =	ssub.s32 @!p0 $0x0, s1;
	[sflag:s0] =	ssyncset.done @!p0 $0x0  }
0x89: {  	[sflag:s0] =	ssyncadd.s32 @!p0 s1  }
0x8a: {  	[bflag:$0x3] =	sbarrier.arrive $0xFFFF  }
0x8b: {  	_ =	shalt  }

</sc_bundles>
